<compile_context>
chip_gen: v7x
topology: tpu7x:2x2x1
jax: 0.10.2.dev20260603
libtpu: 0.0.44.dev20260713+nightly
codegen_flags: <defaults>
</compile_context>

<pallas_src>
import functools

import jax
import jax.numpy as jnp
from jax import lax
from jax.experimental import pallas as pl
from jax.experimental.pallas import tpu as pltpu, tpu_sc as plsc

N = 10000
E = 320000
DF = 128
H = 64
T = 8
G = 128

NC = 2
NS = 16
NW = NC * NS
CH = 112
K = -(-E // (NW * CH * 2)) * 2
E_PAD = NW * K * CH
NPAD = -(-N // (NS * 8)) * NS * 8
RPW = NPAD // NS


def _bn_relu(h, g, b):
    m = jnp.mean(h, axis=0, keepdims=True)
    v = jnp.mean((h - m) * (h - m), axis=0, keepdims=True)
    return jax.nn.relu((h - m) / jnp.sqrt(v + 1e-5) * g + b)


def _onehot_t(batch_ref):
    rows = lax.broadcasted_iota(jnp.int32, (G, N), 0)
    return (rows == batch_ref[...]).astype(jnp.float32)


def _mlp_pool_body(bias_per_node, gin, *refs):
    if gin:
        (x_ref, a0_ref, a1_ref, eps_ref, batch_ref, w1, b1, g1, be1,
         w2, b2, g2, be2, lw, lb, part_in, h_out, part_out) = refs
        x = ((1.0 + eps_ref[0, 0]) * x_ref[0:N, :]
             + a0_ref[0:N, :] + a1_ref[0:N, :])
    else:
        (x_ref, batch_ref, w1, b1, g1, be1,
         w2, b2, g2, be2, lw, lb, part_in, h_out, part_out) = refs
        x = x_ref[...]
    h = jnp.dot(x, w1[...], preferred_element_type=jnp.float32)
    h = _bn_relu(h + b1[...], g1[...], be1[...])
    h = jnp.dot(h, w2[...], preferred_element_type=jnp.float32)
    h = _bn_relu(h + b2[...], g2[...], be2[...])
    h_out[0:N, :] = h
    h_out[N:NPAD, :] = jnp.zeros((NPAD - N, H), jnp.float32)
    oh = _onehot_t(batch_ref)
    pool = jnp.dot(oh, h, preferred_element_type=jnp.float32)
    if bias_per_node:
        bterm = jnp.sum(oh, axis=1, keepdims=True) * lb[...]
    else:
        bterm = lb[...]
    part_out[...] = (part_in[...]
                     + jnp.dot(pool, lw[...], preferred_element_type=jnp.float32)
                     + bterm)


_out_shapes = (jax.ShapeDtypeStruct((NPAD, H), jnp.float32),
               jax.ShapeDtypeStruct((G, T), jnp.float32))
_mlp_pool0 = pl.pallas_call(
    functools.partial(_mlp_pool_body, True, False), out_shape=_out_shapes)
_mlp_pool_gin = pl.pallas_call(
    functools.partial(_mlp_pool_body, False, True), out_shape=_out_shapes)


def _sc_agg_body(h_hbm, srcs_hbm, dsts_hbm, out_hbm,
                 sa0, sa1, da0, da1, rows, gsem, isem0, isem1, obuf,
                 acc, hsh):
    cid = lax.axis_index("c")
    sid = lax.axis_index("s")
    wid = sid * NC + cid
    sa = (sa0, sa1)
    da = (da0, da1)
    isem = (isem0, isem1)

    pltpu.async_copy(h_hbm.at[pl.ds(sid * RPW, RPW)],
                     hsh.at[pl.ds(sid * RPW, RPW)], gsem)

    def _z(j, _):
        obuf[j // (H // 16), pl.ds((j % (H // 16)) * 16, 16)] = (
            jnp.zeros((16,), jnp.float32))
        return 0
    lax.fori_loop(0, RPW * (H // 16), _z, 0)
    pltpu.sync_copy(obuf, acc.at[pl.ds(sid * RPW, RPW)])

    for b in range(2):
        pltpu.async_copy(srcs_hbm.at[wid, b], sa[b], isem[b])
        pltpu.async_copy(dsts_hbm.at[wid, b], da[b], isem[b])

    pltpu.make_async_copy(h_hbm.at[pl.ds(sid * RPW, RPW)],
                          hsh.at[pl.ds(sid * RPW, RPW)], gsem).wait()
    plsc.subcore_barrier()

    def _body(i, _):
        for b in range(2):
            j = i * 2 + b
            pltpu.make_async_copy(srcs_hbm.at[wid, j], sa[b], isem[b]).wait()
            pltpu.make_async_copy(dsts_hbm.at[wid, j], da[b], isem[b]).wait()
            pltpu.async_copy(hsh.at[sa[b]], rows, gsem).wait()
            pltpu.sync_copy(rows, acc.at[da[b]], add=True)

            @pl.when(j + 2 < K)
            def _():
                pltpu.async_copy(srcs_hbm.at[wid, j + 2], sa[b], isem[b])
                pltpu.async_copy(dsts_hbm.at[wid, j + 2], da[b], isem[b])
        return 0
    lax.fori_loop(0, K // 2, _body, 0)
    plsc.subcore_barrier()

    pltpu.sync_copy(acc.at[pl.ds(sid * RPW, RPW)],
                    out_hbm.at[cid, pl.ds(sid * RPW, RPW)])


@functools.lru_cache(maxsize=None)
def _make_sc_agg():
    return pl.kernel(
        _sc_agg_body,
        out_type=jax.ShapeDtypeStruct((NC, NPAD, H), jnp.float32),
        mesh=plsc.VectorSubcoreMesh(core_axis_name="c", subcore_axis_name="s",
                                    num_cores=NC, num_subcores=NS),
        scratch_types=[
            pltpu.VMEM((CH,), jnp.int32),
            pltpu.VMEM((CH,), jnp.int32),
            pltpu.VMEM((CH,), jnp.int32),
            pltpu.VMEM((CH,), jnp.int32),
            pltpu.VMEM((CH, H), jnp.float32),
            pltpu.SemaphoreType.DMA,
            pltpu.SemaphoreType.DMA,
            pltpu.SemaphoreType.DMA,
            pltpu.VMEM((RPW, H), jnp.float32),
            pltpu.VMEM_SHARED((NPAD, H), jnp.float32),
            pltpu.VMEM_SHARED((NPAD, H), jnp.float32),
        ],
        compiler_params=pltpu.CompilerParams(use_tc_tiling_on_sc=False),
    )


def _sc_agg(h, src, dst):
    return _make_sc_agg()(h, src, dst)


def kernel(x, edge_index, batch, fh_W1, fh_b1, fh_g1, fh_be1, fh_W2, fh_b2,
           fh_g2, fh_be2, c0_W1, c0_b1, c0_g1, c0_be1, c0_W2, c0_b2, c0_g2,
           c0_be2, c0_eps, c1_W1, c1_b1, c1_g1, c1_be1, c1_W2, c1_b2, c1_g2,
           c1_be2, c1_eps, lin0_W, lin0_b, lin1_W, lin1_b, lin2_W, lin2_b):
    r = lambda a: a.reshape(1, -1)
    batch_r = batch.reshape(1, N)

    src = jnp.concatenate(
        [edge_index[0], jnp.zeros((E_PAD - E,), jnp.int32)]).reshape(NW, K, CH)
    dst = jnp.concatenate(
        [edge_index[1], jnp.full((E_PAD - E,), N, jnp.int32)]).reshape(NW, K, CH)

    zpart = jnp.zeros((G, T), jnp.float32)

    h0, part0 = _mlp_pool0(x, batch_r, fh_W1, r(fh_b1), r(fh_g1), r(fh_be1),
                           fh_W2, r(fh_b2), r(fh_g2), r(fh_be2),
                           lin0_W, r(lin0_b), zpart)

    agg = _sc_agg(h0, src, dst)
    h1, part1 = _mlp_pool_gin(h0, agg[0], agg[1], c0_eps.reshape(1, 1),
                              batch_r, c0_W1, r(c0_b1), r(c0_g1), r(c0_be1),
                              c0_W2, r(c0_b2), r(c0_g2), r(c0_be2),
                              lin1_W, r(lin1_b), part0)

    agg = _sc_agg(h1, src, dst)
    _, part2 = _mlp_pool_gin(h1, agg[0], agg[1], c1_eps.reshape(1, 1),
                             batch_r, c1_W1, r(c1_b1), r(c1_g1), r(c1_be1),
                             c1_W2, r(c1_b2), r(c1_g2), r(c1_be2),
                             lin2_W, r(lin2_b), part1)
    return part2

# --- scband reference (transcript-rebuilt; emitter-appended) ---
"""Pipeline reference for scband-gin-61349312856765 (READ-ONLY COPY).

The authoritative reference and input builder live on the scoring server;
editing this copy changes nothing except your own understanding.
"""

import jax, jax.numpy as jnp
import numpy as np

N = 10000
E = 320000
DF = 128
H = 64
T = 8
G = 128


def _bn(h, g, b):
    m = jnp.mean(h, axis=0)
    v = jnp.var(h, axis=0)
    return (h - m) / jnp.sqrt(v + 1e-5) * g + b


def _mlp(x, W1, b1, g1, be1, W2, b2, g2, be2):
    h = jax.nn.relu(_bn(x @ W1 + b1, g1, be1))
    h = jax.nn.relu(_bn(h @ W2 + b2, g2, be2))
    return h


def setup_inputs(seed: int = 0):
    key = jax.random.key(seed)
    ks = jax.random.split(key, 40)
    inp = {}
    inp["x"] = jax.random.normal(ks[0], (N, DF), dtype=jnp.float32)
    inp["edge_index"] = jax.random.randint(ks[1], (2, E), 0, N, dtype=jnp.int32)
    inp["batch"] = jnp.sort(jax.random.randint(ks[2], (N,), 0, G, dtype=jnp.int32))
    i = [3]
    def p(shape):
        w = jax.random.normal(ks[i[0]], shape, dtype=jnp.float32) * 0.05
        i[0] += 1
        return w
    inp["fh_W1"] = p((DF, H)); inp["fh_b1"] = p((H,)); inp["fh_g1"] = jnp.ones((H,), jnp.float32); inp["fh_be1"] = jnp.zeros((H,), jnp.float32)
    inp["fh_W2"] = p((H, H)); inp["fh_b2"] = p((H,)); inp["fh_g2"] = jnp.ones((H,), jnp.float32); inp["fh_be2"] = jnp.zeros((H,), jnp.float32)
    for c in ("c0", "c1"):
        inp[c + "_W1"] = p((H, H)); inp[c + "_b1"] = p((H,)); inp[c + "_g1"] = jnp.ones((H,), jnp.float32); inp[c + "_be1"] = jnp.zeros((H,), jnp.float32)
        inp[c + "_W2"] = p((H, H)); inp[c + "_b2"] = p((H,)); inp[c + "_g2"] = jnp.ones((H,), jnp.float32); inp[c + "_be2"] = jnp.zeros((H,), jnp.float32)
        inp[c + "_eps"] = jnp.zeros((), jnp.float32)
    inp["lin0_W"] = p((H, T)); inp["lin0_b"] = p((T,))
    inp["lin1_W"] = p((H, T)); inp["lin1_b"] = p((T,))
    inp["lin2_W"] = p((H, T)); inp["lin2_b"] = p((T,))
    return inp


def reference(x, edge_index, batch, fh_W1, fh_b1, fh_g1, fh_be1, fh_W2, fh_b2, fh_g2, fh_be2, c0_W1, c0_b1, c0_g1, c0_be1, c0_W2, c0_b2, c0_g2, c0_be2, c0_eps, c1_W1, c1_b1, c1_g1, c1_be1, c1_W2, c1_b2, c1_g2, c1_be2, c1_eps, lin0_W, lin0_b, lin1_W, lin1_b, lin2_W, lin2_b):
    src = edge_index[0]
    dst = edge_index[1]
    # layer 0: first_h MLP, per-node linear head, global_add_pool (dropout p=0 -> identity)
    h = _mlp(x, fh_W1, fh_b1, fh_g1, fh_be1, fh_W2, fh_b2, fh_g2, fh_be2)
    out = jax.ops.segment_sum(h @ lin0_W + lin0_b, batch, num_segments=G)
    # layer 1: GINConv = nn((1+eps)*x + sum_{j in N(i)} x_j)
    aggr = jax.ops.segment_sum(h[src], dst, num_segments=N)
    h = _mlp((1.0 + c0_eps) * h + aggr, c0_W1, c0_b1, c0_g1, c0_be1, c0_W2, c0_b2, c0_g2, c0_be2)
    out = out + (jax.ops.segment_sum(h, batch, num_segments=G) @ lin1_W + lin1_b)
    # layer 2
    aggr = jax.ops.segment_sum(h[src], dst, num_segments=N)
    h = _mlp((1.0 + c1_eps) * h + aggr, c1_W1, c1_b1, c1_g1, c1_be1, c1_W2, c1_b2, c1_g2, c1_be2)
    out = out + (jax.ops.segment_sum(h, batch, num_segments=G) @ lin2_W + lin2_b)
    return out

if __name__ == "__main__":
    import jax
    _d = setup_inputs()
    print(jax.jit(kernel)(*tuple(_d.values())))

</pallas_src>

<mosaic_0001>
#map = affine_map<(d0, d1) -> (0, 0)>
#map1 = affine_map<(d0, d1) -> (0, 0, 0)>
module attributes {stable_mosaic.version = 14 : i64} {
  func.func @_sc_agg_body(%arg0: i32, %arg1: i32, %arg2: memref<10112x64xf32, #tpu.memory_space<hbm>>, %arg3: memref<32x90x112xi32, #tpu.memory_space<hbm>>, %arg4: memref<32x90x112xi32, #tpu.memory_space<hbm>>, %arg5: memref<2x10112x64xf32, #tpu.memory_space<hbm>>, %arg6: memref<112xi32, #tpu.memory_space<vmem>>, %arg7: memref<112xi32, #tpu.memory_space<vmem>>, %arg8: memref<112xi32, #tpu.memory_space<vmem>>, %arg9: memref<112xi32, #tpu.memory_space<vmem>>, %arg10: memref<112x64xf32, #tpu.memory_space<vmem>>, %arg11: memref<!tpu.dma_semaphore, #tpu.memory_space<semaphore_mem>>, %arg12: memref<!tpu.dma_semaphore, #tpu.memory_space<semaphore_mem>>, %arg13: memref<!tpu.dma_semaphore, #tpu.memory_space<semaphore_mem>>, %arg14: memref<632x64xf32, #tpu.memory_space<vmem>>, %arg15: memref<10112x64xf32, #tpu.memory_space<vmem_shared>>, %arg16: memref<10112x64xf32, #tpu.memory_space<vmem_shared>>) attributes {dimension_semantics = [#tpu.dimension_semantics<core_parallel>, #tpu.dimension_semantics<subcore_parallel>], iteration_bounds = array<i64: 2, 16>, scalar_prefetch = 0 : i64, scratch_operands = 11 : i64, tpu.core_type = #tpu.core_type<sc_vector_subcore>, window_params = [{transform_indices = #map}, {transform_indices = #map1}, {transform_indices = #map1}, {transform_indices = #map1}]} {
    %mul3A = arith.constant 2 : i32
    %mul3A_0 = arith.muli %arg1, %mul3A : i32
    %add3A = arith.addi %mul3A_0, %arg0 : i32
    %mul3A_1 = arith.constant 632 : i32
    %mul3A_2 = arith.muli %arg1, %mul3A_1 : i32
    %mul3A_3 = arith.constant 632 : i32
    %mul3A_4 = arith.muli %arg1, %mul3A_3 : i32
    %dma_start3A = arith.constant 0 : i32
    %dma_start3A_5 = tpu.memref_slice %arg16[%mul3A_4, %dma_start3A] : memref<10112x64xf32, #tpu.memory_space<vmem_shared>> -> memref<632x64xf32, #tpu.memory_space<vmem_shared>>
    %dma_start3A_6 = arith.constant 0 : i32
    %dma_start3A_7 = tpu.memref_slice %arg2[%mul3A_2, %dma_start3A_6] : memref<10112x64xf32, #tpu.memory_space<hbm>> -> memref<632x64xf32, #tpu.memory_space<hbm>>
    tpu.enqueue_dma source(%dma_start3A_7 : memref<632x64xf32, #tpu.memory_space<hbm>>) target(%dma_start3A_5 : memref<632x64xf32, #tpu.memory_space<vmem_shared>>) target_semaphore(%arg11 : memref<!tpu.dma_semaphore, #tpu.memory_space<semaphore_mem>>)
    %scan3A = arith.constant 0 : i32
    %scan3A_8 = arith.constant 0 : i32
    %scan3A_9 = arith.constant 2528 : i32
    %scan3A_10 = arith.addi %scan3A_8, %scan3A_9 : i32
    %scan3A_11 = arith.constant 1 : i32
    %scan3A_12 = scf.for %scan3A_63 = %scan3A_8 to %scan3A_10 step %scan3A_11 iter_args(%scan3A_64 = %scan3A) -> (i32)  : i32 {
      %broadcast_in_dim3A = arith.constant 0.000000e+00 : f32
      %broadcast_in_dim3A_65 = vector.broadcast %broadcast_in_dim3A : f32 to vector<16xf32>
      %jit3A = arith.constant 4 : i32
      %div3A = arith.divsi %scan3A_63, %jit3A : i32
      %sign3A = arith.constant 0 : i32
      %sign3A_66 = arith.cmpi sgt, %scan3A_63, %sign3A : i32
      %sign3A_67 = arith.extui %sign3A_66 : i1 to i32
      %sign3A_68 = arith.constant 0 : i32
      %sign3A_69 = arith.cmpi slt, %scan3A_63, %sign3A_68 : i32
      %sign3A_70 = arith.extui %sign3A_69 : i1 to i32
      %sign3A_71 = arith.subi %sign3A_67, %sign3A_70 : i32
      %sign3A_72 = arith.constant 0 : i32
      %sign3A_73 = arith.cmpi sgt, %jit3A, %sign3A_72 : i32
      %sign3A_74 = arith.extui %sign3A_73 : i1 to i32
      %sign3A_75 = arith.constant 0 : i32
      %sign3A_76 = arith.cmpi slt, %jit3A, %sign3A_75 : i32
      %sign3A_77 = arith.extui %sign3A_76 : i1 to i32
      %sign3A_78 = arith.subi %sign3A_74, %sign3A_77 : i32
      %ne3A = arith.cmpi ne, %sign3A_71, %sign3A_78 : i32
      %rem3A = arith.remsi %scan3A_63, %jit3A : i32
      %ne3A_79 = arith.constant 0 : i32
      %ne3A_80 = arith.cmpi ne, %rem3A, %ne3A_79 : i32
      %and3A = arith.andi %ne3A, %ne3A_80 : i1
      %sub3A = arith.constant 1 : i32
      %sub3A_81 = arith.subi %div3A, %sub3A : i32
      %select_n3A = arith.select %and3A, %sub3A_81, %div3A : i32
      %jit3A_82 = arith.constant 4 : i32
      %eq3A = arith.constant 0 : i32
      %eq3A_83 = arith.cmpi eq, %jit3A_82, %eq3A : i32
      %jit3A_84 = arith.constant 1 : i32
      %select_n3A_85 = arith.select %eq3A_83, %jit3A_84, %jit3A_82 : i32
      %rem3A_86 = arith.remsi %scan3A_63, %select_n3A_85 : i32
      %ne3A_87 = arith.constant 0 : i32
      %ne3A_88 = arith.cmpi ne, %rem3A_86, %ne3A_87 : i32
      %lt3A = arith.constant 0 : i32
      %lt3A_89 = arith.cmpi slt, %rem3A_86, %lt3A : i32
      %lt3A_90 = arith.constant 0 : i32
      %lt3A_91 = arith.cmpi slt, %select_n3A_85, %lt3A_90 : i32
      %ne3A_92 = arith.xori %lt3A_89, %lt3A_91 : i1
      %and3A_93 = arith.andi %ne3A_92, %ne3A_88 : i1
      %add3A_94 = arith.addi %rem3A_86, %select_n3A_85 : i32
      %select_n3A_95 = arith.select %and3A_93, %add3A_94, %rem3A_86 : i32
      %mul3A_96 = arith.constant 16 : i32
      %mul3A_97 = arith.muli %select_n3A_95, %mul3A_96 : i32
      %swap3A = arith.index_cast %select_n3A : i32 to index
      %swap3A_98 = arith.index_cast %mul3A_97 : i32 to index
      %swap3A_99 = tpu.vector_load %arg14[%swap3A, %swap3A_98] {strides = array<i32>} : memref<632x64xf32, #tpu.memory_space<vmem>>, vector<1x16xf32>,
      %swap3A_100 = vector.shape_cast %swap3A_99 : vector<1x16xf32> to vector<16xf32>
      %swap3A_101 = vector.shape_cast %broadcast_in_dim3A_65 : vector<16xf32> to vector<1x16xf32>
      tpu.vector_store %arg14[%swap3A, %swap3A_98], %swap3A_101 {strides = array<i32>} : memref<632x64xf32, #tpu.memory_space<vmem>>, vector<1x16xf32>,
      %scan3A_102 = arith.constant 0 : i32
      scf.yield %scan3A_102 : i32
    }
    %scan3A_13 = arith.constant 2528 : i32
    %mul3A_14 = arith.constant 632 : i32
    %mul3A_15 = arith.muli %arg1, %mul3A_14 : i32
    "tpu.region"() ({
      %run_scoped3A = tpu.sem_alloc : memref<!tpu.dma_semaphore, #tpu.memory_space<semaphore_mem>>
      %dma_start3A_63 = arith.constant 0 : i32
      %dma_start3A_64 = tpu.memref_slice %arg15[%mul3A_15, %dma_start3A_63] : memref<10112x64xf32, #tpu.memory_space<vmem_shared>> -> memref<632x64xf32, #tpu.memory_space<vmem_shared>>
      %dma_start3A_65 = arith.constant 0 : i32
      %dma_start3A_66 = tpu.memref_slice %arg15[%mul3A_15, %dma_start3A_65] : memref<10112x64xf32, #tpu.memory_space<vmem_shared>> -> memref<632x64xf32, #tpu.memory_space<vmem_shared>>
      tpu.enqueue_dma source(%arg14 : memref<632x64xf32, #tpu.memory_space<vmem>>) target(%dma_start3A_66 : memref<632x64xf32, #tpu.memory_space<vmem_shared>>) target_semaphore(%run_scoped3A : memref<!tpu.dma_semaphore, #tpu.memory_space<semaphore_mem>>)
      %dma_wait3A_67 = arith.constant 0 : i32
      %dma_wait3A_68 = tpu.memref_slice %arg15[%mul3A_15, %dma_wait3A_67] : memref<10112x64xf32, #tpu.memory_space<vmem_shared>> -> memref<632x64xf32, #tpu.memory_space<vmem_shared>>
      %dma_wait3A_69 = arith.constant 0 : i32
      %dma_wait3A_70 = tpu.memref_slice %arg15[%mul3A_15, %dma_wait3A_69] : memref<10112x64xf32, #tpu.memory_space<vmem_shared>> -> memref<632x64xf32, #tpu.memory_space<vmem_shared>>
      tpu.wait_dma2 semaphore(%run_scoped3A : memref<!tpu.dma_semaphore, #tpu.memory_space<semaphore_mem>>) src(%arg14 : memref<632x64xf32, #tpu.memory_space<vmem>>) dst(%dma_wait3A_70 : memref<632x64xf32, #tpu.memory_space<vmem_shared>>)
      tpu.yield
    }) : () -> ()
    %dma_start3A_16 = arith.constant 0 : i32
    %dma_start3A_17 = arith.constant 0 : i32
    %dma_start3A_18 = tpu.memref_slice %arg3[%add3A, %dma_start3A_16, %dma_start3A_17] : memref<32x90x112xi32, #tpu.memory_space<hbm>> -> memref<1x1x112xi32, #tpu.memory_space<hbm>>
    %dma_start3A_19 = tpu.memref_squeeze %dma_start3A_18 : memref<1x1x112xi32, #tpu.memory_space<hbm>> -> memref<112xi32, #tpu.memory_space<hbm>>
    %dma_start3A_20 = arith.constant 0 : i32
    %dma_start3A_21 = tpu.memref_slice %arg3[%add3A, %dma_start3A_16, %dma_start3A_20] : memref<32x90x112xi32, #tpu.memory_space<hbm>> -> memref<1x1x112xi32, #tpu.memory_space<hbm>>
    %dma_start3A_22 = tpu.memref_squeeze %dma_start3A_21 : memref<1x1x112xi32, #tpu.memory_space<hbm>> -> memref<112xi32, #tpu.memory_space<hbm>>
    tpu.enqueue_dma source(%dma_start3A_22 : memref<112xi32, #tpu.memory_space<hbm>>) target(%arg6 : memref<112xi32, #tpu.memory_space<vmem>>) target_semaphore(%arg12 : memref<!tpu.dma_semaphore, #tpu.memory_space<semaphore_mem>>)
    %dma_start3A_23 = arith.constant 0 : i32
    %dma_start3A_24 = arith.constant 0 : i32
    %dma_start3A_25 = tpu.memref_slice %arg4[%add3A, %dma_start3A_23, %dma_start3A_24] : memref<32x90x112xi32, #tpu.memory_space<hbm>> -> memref<1x1x112xi32, #tpu.memory_space<hbm>>
    %dma_start3A_26 = tpu.memref_squeeze %dma_start3A_25 : memref<1x1x112xi32, #tpu.memory_space<hbm>> -> memref<112xi32, #tpu.memory_space<hbm>>
    %dma_start3A_27 = arith.constant 0 : i32
    %dma_start3A_28 = tpu.memref_slice %arg4[%add3A, %dma_start3A_23, %dma_start3A_27] : memref<32x90x112xi32, #tpu.memory_space<hbm>> -> memref<1x1x112xi32, #tpu.memory_space<hbm>>
    %dma_start3A_29 = tpu.memref_squeeze %dma_start3A_28 : memref<1x1x112xi32, #tpu.memory_space<hbm>> -> memref<112xi32, #tpu.memory_space<hbm>>
    tpu.enqueue_dma source(%dma_start3A_29 : memref<112xi32, #tpu.memory_space<hbm>>) target(%arg8 : memref<112xi32, #tpu.memory_space<vmem>>) target_semaphore(%arg12 : memref<!tpu.dma_semaphore, #tpu.memory_space<semaphore_mem>>)
    %dma_start3A_30 = arith.constant 1 : i32
    %dma_start3A_31 = arith.constant 0 : i32
    %dma_start3A_32 = tpu.memref_slice %arg3[%add3A, %dma_start3A_30, %dma_start3A_31] : memref<32x90x112xi32, #tpu.memory_space<hbm>> -> memref<1x1x112xi32, #tpu.memory_space<hbm>>
    %dma_start3A_33 = tpu.memref_squeeze %dma_start3A_32 : memref<1x1x112xi32, #tpu.memory_space<hbm>> -> memref<112xi32, #tpu.memory_space<hbm>>
    %dma_start3A_34 = arith.constant 0 : i32
    %dma_start3A_35 = tpu.memref_slice %arg3[%add3A, %dma_start3A_30, %dma_start3A_34] : memref<32x90x112xi32, #tpu.memory_space<hbm>> -> memref<1x1x112xi32, #tpu.memory_space<hbm>>
    %dma_start3A_36 = tpu.memref_squeeze %dma_start3A_35 : memref<1x1x112xi32, #tpu.memory_space<hbm>> -> memref<112xi32, #tpu.memory_space<hbm>>
    tpu.enqueue_dma source(%dma_start3A_36 : memref<112xi32, #tpu.memory_space<hbm>>) target(%arg7 : memref<112xi32, #tpu.memory_space<vmem>>) target_semaphore(%arg13 : memref<!tpu.dma_semaphore, #tpu.memory_space<semaphore_mem>>)
    %dma_start3A_37 = arith.constant 1 : i32
    %dma_start3A_38 = arith.constant 0 : i32
    %dma_start3A_39 = tpu.memref_slice %arg4[%add3A, %dma_start3A_37, %dma_start3A_38] : memref<32x90x112xi32, #tpu.memory_space<hbm>> -> memref<1x1x112xi32, #tpu.memory_space<hbm>>
    %dma_start3A_40 = tpu.memref_squeeze %dma_start3A_39 : memref<1x1x112xi32, #tpu.memory_space<hbm>> -> memref<112xi32, #tpu.memory_space<hbm>>
    %dma_start3A_41 = arith.constant 0 : i32
    %dma_start3A_42 = tpu.memref_slice %arg4[%add3A, %dma_start3A_37, %dma_start3A_41] : memref<32x90x112xi32, #tpu.memory_space<hbm>> -> memref<1x1x112xi32, #tpu.memory_space<hbm>>
    %dma_start3A_43 = tpu.memref_squeeze %dma_start3A_42 : memref<1x1x112xi32, #tpu.memory_space<hbm>> -> memref<112xi32, #tpu.memory_space<hbm>>
    tpu.enqueue_dma source(%dma_start3A_43 : memref<112xi32, #tpu.memory_space<hbm>>) target(%arg9 : memref<112xi32, #tpu.memory_space<vmem>>) target_semaphore(%arg13 : memref<!tpu.dma_semaphore, #tpu.memory_space<semaphore_mem>>)
    %mul3A_44 = arith.constant 632 : i32
    %mul3A_45 = arith.muli %arg1, %mul3A_44 : i32
    %mul3A_46 = arith.constant 632 : i32
    %mul3A_47 = arith.muli %arg1, %mul3A_46 : i32
    %dma_wait3A = arith.constant 0 : i32
    %dma_wait3A_48 = tpu.memref_slice %arg16[%mul3A_47, %dma_wait3A] : memref<10112x64xf32, #tpu.memory_space<vmem_shared>> -> memref<632x64xf32, #tpu.memory_space<vmem_shared>>
    %dma_wait3A_49 = arith.constant 0 : i32
    %dma_wait3A_50 = tpu.memref_slice %arg2[%mul3A_45, %dma_wait3A_49] : memref<10112x64xf32, #tpu.memory_space<hbm>> -> memref<632x64xf32, #tpu.memory_space<hbm>>
    tpu.wait_dma2 semaphore(%arg11 : memref<!tpu.dma_semaphore, #tpu.memory_space<semaphore_mem>>) src(%dma_wait3A_50 : memref<632x64xf32, #tpu.memory_space<hbm>>) dst(%dma_wait3A_48 : memref<632x64xf32, #tpu.memory_space<vmem_shared>>)
    %barrier3A = arith.constant 0 : index
    tpu.barrier barrier_id(%barrier3A)
    %scan3A_51 = arith.constant 0 : i32
    %scan3A_52 = arith.constant 0 : i32
    %scan3A_53 = arith.constant 45 : i32
    %scan3A_54 = arith.addi %scan3A_52, %scan3A_53 : i32
    %scan3A_55 = arith.constant 1 : i32
    %scan3A_56 = scf.for %scan3A_63 = %scan3A_52 to %scan3A_54 step %scan3A_55 iter_args(%scan3A_64 = %scan3A_51) -> (i32)  : i32 {
      %mul3A_65 = arith.constant 2 : i32
      %mul3A_66 = arith.muli %scan3A_63, %mul3A_65 : i32
      %add3A_67 = arith.constant 0 : i32
      %add3A_68 = arith.addi %mul3A_66, %add3A_67 : i32
      %dma_wait3A_69 = arith.constant 0 : i32
      %dma_wait3A_70 = tpu.memref_slice %arg3[%add3A, %add3A_68, %dma_wait3A_69] : memref<32x90x112xi32, #tpu.memory_space<hbm>> -> memref<1x1x112xi32, #tpu.memory_space<hbm>>
      %dma_wait3A_71 = tpu.memref_squeeze %dma_wait3A_70 : memref<1x1x112xi32, #tpu.memory_space<hbm>> -> memref<112xi32, #tpu.memory_space<hbm>>
      %dma_wait3A_72 = arith.constant 0 : i32
      %dma_wait3A_73 = tpu.memref_slice %arg3[%add3A, %add3A_68, %dma_wait3A_72] : memref<32x90x112xi32, #tpu.memory_space<hbm>> -> memref<1x1x112xi32, #tpu.memory_space<hbm>>
      %dma_wait3A_74 = tpu.memref_squeeze %dma_wait3A_73 : memref<1x1x112xi32, #tpu.memory_space<hbm>> -> memref<112xi32, #tpu.memory_space<hbm>>
      tpu.wait_dma2 semaphore(%arg12 : memref<!tpu.dma_semaphore, #tpu.memory_space<semaphore_mem>>) src(%dma_wait3A_74 : memref<112xi32, #tpu.memory_space<hbm>>) dst(%arg6 : memref<112xi32, #tpu.memory_space<vmem>>)
      %dma_wait3A_75 = arith.constant 0 : i32
      %dma_wait3A_76 = tpu.memref_slice %arg4[%add3A, %add3A_68, %dma_wait3A_75] : memref<32x90x112xi32, #tpu.memory_space<hbm>> -> memref<1x1x112xi32, #tpu.memory_space<hbm>>
      %dma_wait3A_77 = tpu.memref_squeeze %dma_wait3A_76 : memref<1x1x112xi32, #tpu.memory_space<hbm>> -> memref<112xi32, #tpu.memory_space<hbm>>
      %dma_wait3A_78 = arith.constant 0 : i32
      %dma_wait3A_79 = tpu.memref_slice %arg4[%add3A, %add3A_68, %dma_wait3A_78] : memref<32x90x112xi32, #tpu.memory_space<hbm>> -> memref<1x1x112xi32, #tpu.memory_space<hbm>>
      %dma_wait3A_80 = tpu.memref_squeeze %dma_wait3A_79 : memref<1x1x112xi32, #tpu.memory_space<hbm>> -> memref<112xi32, #tpu.memory_space<hbm>>
      tpu.wait_dma2 semaphore(%arg12 : memref<!tpu.dma_semaphore, #tpu.memory_space<semaphore_mem>>) src(%dma_wait3A_80 : memref<112xi32, #tpu.memory_space<hbm>>) dst(%arg8 : memref<112xi32, #tpu.memory_space<vmem>>)
      %dma_start3A_81 = arith.constant 0 : i32
      %dma_start3A_82 = arith.constant 0 : i32
      %dma_start3A_83 = tpu.memref_slice %arg16[%dma_start3A_81, %dma_start3A_82] : memref<10112x64xf32, #tpu.memory_space<vmem_shared>> -> memref<10112x64xf32, #tpu.memory_space<vmem_shared>>
      tpu.enqueue_indirect_dma source(%dma_start3A_83 : memref<10112x64xf32, #tpu.memory_space<vmem_shared>>) target(%arg10 : memref<112x64xf32, #tpu.memory_space<vmem>>) offsets(%arg6 : memref<112xi32, #tpu.memory_space<vmem>>) semaphore(%arg11 : memref<!tpu.dma_semaphore, #tpu.memory_space<semaphore_mem>>)
      %dma_wait3A_84 = arith.constant 0 : i32
      %dma_wait3A_85 = arith.constant 0 : i32
      %dma_wait3A_86 = tpu.memref_slice %arg16[%dma_wait3A_84, %dma_wait3A_85] : memref<10112x64xf32, #tpu.memory_space<vmem_shared>> -> memref<10112x64xf32, #tpu.memory_space<vmem_shared>>
      tpu.wait_indirect_dma semaphore(%arg11 : memref<!tpu.dma_semaphore, #tpu.memory_space<semaphore_mem>>) src(%dma_wait3A_86 : memref<10112x64xf32, #tpu.memory_space<vmem_shared>>) dst(%arg10 : memref<112x64xf32, #tpu.memory_space<vmem>>)
      "tpu.region"() ({
        %run_scoped3A = tpu.sem_alloc : memref<!tpu.dma_semaphore, #tpu.memory_space<semaphore_mem>>
        %dma_start3A_121 = arith.constant 0 : i32
        %dma_start3A_122 = arith.constant 0 : i32
        %dma_start3A_123 = tpu.memref_slice %arg15[%dma_start3A_121, %dma_start3A_122] : memref<10112x64xf32, #tpu.memory_space<vmem_shared>> -> memref<10112x64xf32, #tpu.memory_space<vmem_shared>>
        tpu.enqueue_indirect_dma source(%arg10 : memref<112x64xf32, #tpu.memory_space<vmem>>) target(%dma_start3A_123 : memref<10112x64xf32, #tpu.memory_space<vmem_shared>>) offsets(%arg8 : memref<112xi32, #tpu.memory_space<vmem>>) semaphore(%run_scoped3A : memref<!tpu.dma_semaphore, #tpu.memory_space<semaphore_mem>>) {add = true}
        %dma_wait3A_124 = arith.constant 0 : i32
        %dma_wait3A_125 = arith.constant 0 : i32
        %dma_wait3A_126 = tpu.memref_slice %arg15[%dma_wait3A_124, %dma_wait3A_125] : memref<10112x64xf32, #tpu.memory_space<vmem_shared>> -> memref<10112x64xf32, #tpu.memory_space<vmem_shared>>
        tpu.wait_indirect_dma semaphore(%run_scoped3A : memref<!tpu.dma_semaphore, #tpu.memory_space<semaphore_mem>>) src(%arg10 : memref<112x64xf32, #tpu.memory_space<vmem>>) dst(%dma_wait3A_126 : memref<10112x64xf32, #tpu.memory_space<vmem_shared>>)
        tpu.yield
      }) : () -> ()
      %add3A_87 = arith.constant 2 : i32
      %add3A_88 = arith.addi %add3A_68, %add3A_87 : i32
      %lt3A = arith.constant 90 : i32
      %lt3A_89 = arith.cmpi slt, %add3A_88, %lt3A : i32
      %convert_element_type3A = arith.extui %lt3A_89 : i1 to i32
      %cond3A = arith.constant 0 : i32
      %cond3A_90 = arith.cmpi ne, %convert_element_type3A, %cond3A : i32
      scf.if %cond3A_90 {
        %add3A_121 = arith.constant 2 : i32
        %add3A_122 = arith.addi %add3A_68, %add3A_121 : i32
        %dma_start3A_123 = arith.constant 0 : i32
        %dma_start3A_124 = tpu.memref_slice %arg3[%add3A, %add3A_122, %dma_start3A_123] : memref<32x90x112xi32, #tpu.memory_space<hbm>> -> memref<1x1x112xi32, #tpu.memory_space<hbm>>
        %dma_start3A_125 = tpu.memref_squeeze %dma_start3A_124 : memref<1x1x112xi32, #tpu.memory_space<hbm>> -> memref<112xi32, #tpu.memory_space<hbm>>
        %dma_start3A_126 = arith.constant 0 : i32
        %dma_start3A_127 = tpu.memref_slice %arg3[%add3A, %add3A_122, %dma_start3A_126] : memref<32x90x112xi32, #tpu.memory_space<hbm>> -> memref<1x1x112xi32, #tpu.memory_space<hbm>>
        %dma_start3A_128 = tpu.memref_squeeze %dma_start3A_127 : memref<1x1x112xi32, #tpu.memory_space<hbm>> -> memref<112xi32, #tpu.memory_space<hbm>>
        tpu.enqueue_dma source(%dma_start3A_128 : memref<112xi32, #tpu.memory_space<hbm>>) target(%arg6 : memref<112xi32, #tpu.memory_space<vmem>>) target_semaphore(%arg12 : memref<!tpu.dma_semaphore, #tpu.memory_space<semaphore_mem>>)
        %add3A_129 = arith.constant 2 : i32
        %add3A_130 = arith.addi %add3A_68, %add3A_129 : i32
        %dma_start3A_131 = arith.constant 0 : i32
        %dma_start3A_132 = tpu.memref_slice %arg4[%add3A, %add3A_130, %dma_start3A_131] : memref<32x90x112xi32, #tpu.memory_space<hbm>> -> memref<1x1x112xi32, #tpu.memory_space<hbm>>
        %dma_start3A_133 = tpu.memref_squeeze %dma_start3A_132 : memref<1x1x112xi32, #tpu.memory_space<hbm>> -> memref<112xi32, #tpu.memory_space<hbm>>
        %dma_start3A_134 = arith.constant 0 : i32
        %dma_start3A_135 = tpu.memref_slice %arg4[%add3A, %add3A_130, %dma_start3A_134] : memref<32x90x112xi32, #tpu.memory_space<hbm>> -> memref<1x1x112xi32, #tpu.memory_space<hbm>>
        %dma_start3A_136 = tpu.memref_squeeze %dma_start3A_135 : memref<1x1x112xi32, #tpu.memory_space<hbm>> -> memref<112xi32, #tpu.memory_space<hbm>>
        tpu.enqueue_dma source(%dma_start3A_136 : memref<112xi32, #tpu.memory_space<hbm>>) target(%arg8 : memref<112xi32, #tpu.memory_space<vmem>>) target_semaphore(%arg12 : memref<!tpu.dma_semaphore, #tpu.memory_space<semaphore_mem>>)
      } else {
      }
      %mul3A_91 = arith.constant 2 : i32
      %mul3A_92 = arith.muli %scan3A_63, %mul3A_91 : i32
      %add3A_93 = arith.constant 1 : i32
      %add3A_94 = arith.addi %mul3A_92, %add3A_93 : i32
      %dma_wait3A_95 = arith.constant 0 : i32
      %dma_wait3A_96 = tpu.memref_slice %arg3[%add3A, %add3A_94, %dma_wait3A_95] : memref<32x90x112xi32, #tpu.memory_space<hbm>> -> memref<1x1x112xi32, #tpu.memory_space<hbm>>
      %dma_wait3A_97 = tpu.memref_squeeze %dma_wait3A_96 : memref<1x1x112xi32, #tpu.memory_space<hbm>> -> memref<112xi32, #tpu.memory_space<hbm>>
      %dma_wait3A_98 = arith.constant 0 : i32
      %dma_wait3A_99 = tpu.memref_slice %arg3[%add3A, %add3A_94, %dma_wait3A_98] : memref<32x90x112xi32, #tpu.memory_space<hbm>> -> memref<1x1x112xi32, #tpu.memory_space<hbm>>
      %dma_wait3A_100 = tpu.memref_squeeze %dma_wait3A_99 : memref<1x1x112xi32, #tpu.memory_space<hbm>> -> memref<112xi32, #tpu.memory_space<hbm>>
      tpu.wait_dma2 semaphore(%arg13 : memref<!tpu.dma_semaphore, #tpu.memory_space<semaphore_mem>>) src(%dma_wait3A_100 : memref<112xi32, #tpu.memory_space<hbm>>) dst(%arg7 : memref<112xi32, #tpu.memory_space<vmem>>)
      %dma_wait3A_101 = arith.constant 0 : i32
      %dma_wait3A_102 = tpu.memref_slice %arg4[%add3A, %add3A_94, %dma_wait3A_101] : memref<32x90x112xi32, #tpu.memory_space<hbm>> -> memref<1x1x112xi32, #tpu.memory_space<hbm>>
      %dma_wait3A_103 = tpu.memref_squeeze %dma_wait3A_102 : memref<1x1x112xi32, #tpu.memory_space<hbm>> -> memref<112xi32, #tpu.memory_space<hbm>>
      %dma_wait3A_104 = arith.constant 0 : i32
      %dma_wait3A_105 = tpu.memref_slice %arg4[%add3A, %add3A_94, %dma_wait3A_104] : memref<32x90x112xi32, #tpu.memory_space<hbm>> -> memref<1x1x112xi32, #tpu.memory_space<hbm>>
      %dma_wait3A_106 = tpu.memref_squeeze %dma_wait3A_105 : memref<1x1x112xi32, #tpu.memory_space<hbm>> -> memref<112xi32, #tpu.memory_space<hbm>>
      tpu.wait_dma2 semaphore(%arg13 : memref<!tpu.dma_semaphore, #tpu.memory_space<semaphore_mem>>) src(%dma_wait3A_106 : memref<112xi32, #tpu.memory_space<hbm>>) dst(%arg9 : memref<112xi32, #tpu.memory_space<vmem>>)
      %dma_start3A_107 = arith.constant 0 : i32
      %dma_start3A_108 = arith.constant 0 : i32
      %dma_start3A_109 = tpu.memref_slice %arg16[%dma_start3A_107, %dma_start3A_108] : memref<10112x64xf32, #tpu.memory_space<vmem_shared>> -> memref<10112x64xf32, #tpu.memory_space<vmem_shared>>
      tpu.enqueue_indirect_dma source(%dma_start3A_109 : memref<10112x64xf32, #tpu.memory_space<vmem_shared>>) target(%arg10 : memref<112x64xf32, #tpu.memory_space<vmem>>) offsets(%arg7 : memref<112xi32, #tpu.memory_space<vmem>>) semaphore(%arg11 : memref<!tpu.dma_semaphore, #tpu.memory_space<semaphore_mem>>)
      %dma_wait3A_110 = arith.constant 0 : i32
      %dma_wait3A_111 = arith.constant 0 : i32
      %dma_wait3A_112 = tpu.memref_slice %arg16[%dma_wait3A_110, %dma_wait3A_111] : memref<10112x64xf32, #tpu.memory_space<vmem_shared>> -> memref<10112x64xf32, #tpu.memory_space<vmem_shared>>
      tpu.wait_indirect_dma semaphore(%arg11 : memref<!tpu.dma_semaphore, #tpu.memory_space<semaphore_mem>>) src(%dma_wait3A_112 : memref<10112x64xf32, #tpu.memory_space<vmem_shared>>) dst(%arg10 : memref<112x64xf32, #tpu.memory_space<vmem>>)
      "tpu.region"() ({
        %run_scoped3A = tpu.sem_alloc : memref<!tpu.dma_semaphore, #tpu.memory_space<semaphore_mem>>
        %dma_start3A_121 = arith.constant 0 : i32
        %dma_start3A_122 = arith.constant 0 : i32
        %dma_start3A_123 = tpu.memref_slice %arg15[%dma_start3A_121, %dma_start3A_122] : memref<10112x64xf32, #tpu.memory_space<vmem_shared>> -> memref<10112x64xf32, #tpu.memory_space<vmem_shared>>
        tpu.enqueue_indirect_dma source(%arg10 : memref<112x64xf32, #tpu.memory_space<vmem>>) target(%dma_start3A_123 : memref<10112x64xf32, #tpu.memory_space<vmem_shared>>) offsets(%arg9 : memref<112xi32, #tpu.memory_space<vmem>>) semaphore(%run_scoped3A : memref<!tpu.dma_semaphore, #tpu.memory_space<semaphore_mem>>) {add = true}
        %dma_wait3A_124 = arith.constant 0 : i32
        %dma_wait3A_125 = arith.constant 0 : i32
        %dma_wait3A_126 = tpu.memref_slice %arg15[%dma_wait3A_124, %dma_wait3A_125] : memref<10112x64xf32, #tpu.memory_space<vmem_shared>> -> memref<10112x64xf32, #tpu.memory_space<vmem_shared>>
        tpu.wait_indirect_dma semaphore(%run_scoped3A : memref<!tpu.dma_semaphore, #tpu.memory_space<semaphore_mem>>) src(%arg10 : memref<112x64xf32, #tpu.memory_space<vmem>>) dst(%dma_wait3A_126 : memref<10112x64xf32, #tpu.memory_space<vmem_shared>>)
        tpu.yield
      }) : () -> ()
      %add3A_113 = arith.constant 2 : i32
      %add3A_114 = arith.addi %add3A_94, %add3A_113 : i32
      %lt3A_115 = arith.constant 90 : i32
      %lt3A_116 = arith.cmpi slt, %add3A_114, %lt3A_115 : i32
      %convert_element_type3A_117 = arith.extui %lt3A_116 : i1 to i32
      %cond3A_118 = arith.constant 0 : i32
      %cond3A_119 = arith.cmpi ne, %convert_element_type3A_117, %cond3A_118 : i32
      scf.if %cond3A_119 {
        %add3A_121 = arith.constant 2 : i32
        %add3A_122 = arith.addi %add3A_94, %add3A_121 : i32
        %dma_start3A_123 = arith.constant 0 : i32
        %dma_start3A_124 = tpu.memref_slice %arg3[%add3A, %add3A_122, %dma_start3A_123] : memref<32x90x112xi32, #tpu.memory_space<hbm>> -> memref<1x1x112xi32, #tpu.memory_space<hbm>>
        %dma_start3A_125 = tpu.memref_squeeze %dma_start3A_124 : memref<1x1x112xi32, #tpu.memory_space<hbm>> -> memref<112xi32, #tpu.memory_space<hbm>>
        %dma_start3A_126 = arith.constant 0 : i32
        %dma_start3A_127 = tpu.memref_slice %arg3[%add3A, %add3A_122, %dma_start3A_126] : memref<32x90x112xi32, #tpu.memory_space<hbm>> -> memref<1x1x112xi32, #tpu.memory_space<hbm>>
        %dma_start3A_128 = tpu.memref_squeeze %dma_start3A_127 : memref<1x1x112xi32, #tpu.memory_space<hbm>> -> memref<112xi32, #tpu.memory_space<hbm>>
        tpu.enqueue_dma source(%dma_start3A_128 : memref<112xi32, #tpu.memory_space<hbm>>) target(%arg7 : memref<112xi32, #tpu.memory_space<vmem>>) target_semaphore(%arg13 : memref<!tpu.dma_semaphore, #tpu.memory_space<semaphore_mem>>)
        %add3A_129 = arith.constant 2 : i32
        %add3A_130 = arith.addi %add3A_94, %add3A_129 : i32
        %dma_start3A_131 = arith.constant 0 : i32
        %dma_start3A_132 = tpu.memref_slice %arg4[%add3A, %add3A_130, %dma_start3A_131] : memref<32x90x112xi32, #tpu.memory_space<hbm>> -> memref<1x1x112xi32, #tpu.memory_space<hbm>>
        %dma_start3A_133 = tpu.memref_squeeze %dma_start3A_132 : memref<1x1x112xi32, #tpu.memory_space<hbm>> -> memref<112xi32, #tpu.memory_space<hbm>>
        %dma_start3A_134 = arith.constant 0 : i32
        %dma_start3A_135 = tpu.memref_slice %arg4[%add3A, %add3A_130, %dma_start3A_134] : memref<32x90x112xi32, #tpu.memory_space<hbm>> -> memref<1x1x112xi32, #tpu.memory_space<hbm>>
        %dma_start3A_136 = tpu.memref_squeeze %dma_start3A_135 : memref<1x1x112xi32, #tpu.memory_space<hbm>> -> memref<112xi32, #tpu.memory_space<hbm>>
        tpu.enqueue_dma source(%dma_start3A_136 : memref<112xi32, #tpu.memory_space<hbm>>) target(%arg9 : memref<112xi32, #tpu.memory_space<vmem>>) target_semaphore(%arg13 : memref<!tpu.dma_semaphore, #tpu.memory_space<semaphore_mem>>)
      } else {
      }
      %scan3A_120 = arith.constant 0 : i32
      scf.yield %scan3A_120 : i32
    }
    %scan3A_57 = arith.constant 45 : i32
    %barrier3A_58 = arith.constant 0 : index
    tpu.barrier barrier_id(%barrier3A_58)
    %mul3A_59 = arith.constant 632 : i32
    %mul3A_60 = arith.muli %arg1, %mul3A_59 : i32
    %mul3A_61 = arith.constant 632 : i32
    %mul3A_62 = arith.muli %arg1, %mul3A_61 : i32
    "tpu.region"() ({
      %run_scoped3A = tpu.sem_alloc : memref<!tpu.dma_semaphore, #tpu.memory_space<semaphore_mem>>
      %dma_start3A_63 = arith.constant 0 : i32
      %dma_start3A_64 = tpu.memref_slice %arg5[%arg0, %mul3A_62, %dma_start3A_63] : memref<2x10112x64xf32, #tpu.memory_space<hbm>> -> memref<1x632x64xf32, #tpu.memory_space<hbm>>
      %dma_start3A_65 = tpu.memref_squeeze %dma_start3A_64 : memref<1x632x64xf32, #tpu.memory_space<hbm>> -> memref<632x64xf32, #tpu.memory_space<hbm>>
      %dma_start3A_66 = arith.constant 0 : i32
      %dma_start3A_67 = tpu.memref_slice %arg15[%mul3A_60, %dma_start3A_66] : memref<10112x64xf32, #tpu.memory_space<vmem_shared>> -> memref<632x64xf32, #tpu.memory_space<vmem_shared>>
      tpu.enqueue_dma source(%dma_start3A_67 : memref<632x64xf32, #tpu.memory_space<vmem_shared>>) target(%dma_start3A_65 : memref<632x64xf32, #tpu.memory_space<hbm>>) target_semaphore(%run_scoped3A : memref<!tpu.dma_semaphore, #tpu.memory_space<semaphore_mem>>)
      %dma_wait3A_68 = arith.constant 0 : i32
      %dma_wait3A_69 = tpu.memref_slice %arg5[%arg0, %mul3A_62, %dma_wait3A_68] : memref<2x10112x64xf32, #tpu.memory_space<hbm>> -> memref<1x632x64xf32, #tpu.memory_space<hbm>>
      %dma_wait3A_70 = tpu.memref_squeeze %dma_wait3A_69 : memref<1x632x64xf32, #tpu.memory_space<hbm>> -> memref<632x64xf32, #tpu.memory_space<hbm>>
      %dma_wait3A_71 = arith.constant 0 : i32
      %dma_wait3A_72 = tpu.memref_slice %arg15[%mul3A_60, %dma_wait3A_71] : memref<10112x64xf32, #tpu.memory_space<vmem_shared>> -> memref<632x64xf32, #tpu.memory_space<vmem_shared>>
      tpu.wait_dma2 semaphore(%run_scoped3A : memref<!tpu.dma_semaphore, #tpu.memory_space<semaphore_mem>>) src(%dma_wait3A_72 : memref<632x64xf32, #tpu.memory_space<vmem_shared>>) dst(%dma_wait3A_70 : memref<632x64xf32, #tpu.memory_space<hbm>>)
      tpu.yield
    }) : () -> ()
    return
  }
}

#map = affine_map<(d0, d1) -> (0, 0)>
#map1 = affine_map<(d0, d1) -> (0, 0, 0)>
module attributes {stable_mosaic.version = 14 : i64} {
  func.func @_sc_agg_body(%arg0: i32, %arg1: i32, %arg2: memref<10112x64xf32, #tpu.memory_space<hbm>>, %arg3: memref<32x90x112xi32, #tpu.memory_space<hbm>>, %arg4: memref<32x90x112xi32, #tpu.memory_space<hbm>>, %arg5: memref<2x10112x64xf32, #tpu.memory_space<hbm>>, %arg6: memref<112xi32, #tpu.memory_space<vmem>>, %arg7: memref<112xi32, #tpu.memory_space<vmem>>, %arg8: memref<112xi32, #tpu.memory_space<vmem>>, %arg9: memref<112xi32, #tpu.memory_space<vmem>>, %arg10: memref<112x64xf32, #tpu.memory_space<vmem>>, %arg11: memref<!tpu.dma_semaphore, #tpu.memory_space<semaphore_mem>>, %arg12: memref<!tpu.dma_semaphore, #tpu.memory_space<semaphore_mem>>, %arg13: memref<!tpu.dma_semaphore, #tpu.memory_space<semaphore_mem>>, %arg14: memref<632x64xf32, #tpu.memory_space<vmem>>, %arg15: memref<10112x64xf32, #tpu.memory_space<vmem_shared>>, %arg16: memref<10112x64xf32, #tpu.memory_space<vmem_shared>>) attributes {dimension_semantics = [#tpu.dimension_semantics<core_parallel>, #tpu.dimension_semantics<subcore_parallel>], iteration_bounds = array<i64: 2, 16>, scalar_prefetch = 0 : i64, scratch_operands = 11 : i64, tpu.core_type = #tpu.core_type<sc_vector_subcore>, window_params = [{transform_indices = #map}, {transform_indices = #map1}, {transform_indices = #map1}, {transform_indices = #map1}]} {
    %mul3A = arith.constant 2 : i32
    %mul3A_0 = arith.muli %arg1, %mul3A : i32
    %add3A = arith.addi %mul3A_0, %arg0 : i32
    %mul3A_1 = arith.constant 632 : i32
    %mul3A_2 = arith.muli %arg1, %mul3A_1 : i32
    %mul3A_3 = arith.constant 632 : i32
    %mul3A_4 = arith.muli %arg1, %mul3A_3 : i32
    %dma_start3A = arith.constant 0 : i32
    %dma_start3A_5 = tpu.memref_slice %arg16[%mul3A_4, %dma_start3A] : memref<10112x64xf32, #tpu.memory_space<vmem_shared>> -> memref<632x64xf32, #tpu.memory_space<vmem_shared>>
    %dma_start3A_6 = arith.constant 0 : i32
    %dma_start3A_7 = tpu.memref_slice %arg2[%mul3A_2, %dma_start3A_6] : memref<10112x64xf32, #tpu.memory_space<hbm>> -> memref<632x64xf32, #tpu.memory_space<hbm>>
    tpu.enqueue_dma source(%dma_start3A_7 : memref<632x64xf32, #tpu.memory_space<hbm>>) target(%dma_start3A_5 : memref<632x64xf32, #tpu.memory_space<vmem_shared>>) target_semaphore(%arg11 : memref<!tpu.dma_semaphore, #tpu.memory_space<semaphore_mem>>)
    %scan3A = arith.constant 0 : i32
    %scan3A_8 = arith.constant 0 : i32
    %scan3A_9 = arith.constant 2528 : i32
    %scan3A_10 = arith.addi %scan3A_8, %scan3A_9 : i32
    %scan3A_11 = arith.constant 1 : i32
    %scan3A_12 = scf.for %scan3A_63 = %scan3A_8 to %scan3A_10 step %scan3A_11 iter_args(%scan3A_64 = %scan3A) -> (i32)  : i32 {
      %broadcast_in_dim3A = arith.constant 0.000000e+00 : f32
      %broadcast_in_dim3A_65 = vector.broadcast %broadcast_in_dim3A : f32 to vector<16xf32>
      %jit3A = arith.constant 4 : i32
      %div3A = arith.divsi %scan3A_63, %jit3A : i32
      %sign3A = arith.constant 0 : i32
      %sign3A_66 = arith.cmpi sgt, %scan3A_63, %sign3A : i32
      %sign3A_67 = arith.extui %sign3A_66 : i1 to i32
      %sign3A_68 = arith.constant 0 : i32
      %sign3A_69 = arith.cmpi slt, %scan3A_63, %sign3A_68 : i32
      %sign3A_70 = arith.extui %sign3A_69 : i1 to i32
      %sign3A_71 = arith.subi %sign3A_67, %sign3A_70 : i32
      %sign3A_72 = arith.constant 0 : i32
      %sign3A_73 = arith.cmpi sgt, %jit3A, %sign3A_72 : i32
      %sign3A_74 = arith.extui %sign3A_73 : i1 to i32
      %sign3A_75 = arith.constant 0 : i32
      %sign3A_76 = arith.cmpi slt, %jit3A, %sign3A_75 : i32
      %sign3A_77 = arith.extui %sign3A_76 : i1 to i32
      %sign3A_78 = arith.subi %sign3A_74, %sign3A_77 : i32
      %ne3A = arith.cmpi ne, %sign3A_71, %sign3A_78 : i32
      %rem3A = arith.remsi %scan3A_63, %jit3A : i32
      %ne3A_79 = arith.constant 0 : i32
      %ne3A_80 = arith.cmpi ne, %rem3A, %ne3A_79 : i32
      %and3A = arith.andi %ne3A, %ne3A_80 : i1
      %sub3A = arith.constant 1 : i32
      %sub3A_81 = arith.subi %div3A, %sub3A : i32
      %select_n3A = arith.select %and3A, %sub3A_81, %div3A : i32
      %jit3A_82 = arith.constant 4 : i32
      %eq3A = arith.constant 0 : i32
      %eq3A_83 = arith.cmpi eq, %jit3A_82, %eq3A : i32
      %jit3A_84 = arith.constant 1 : i32
      %select_n3A_85 = arith.select %eq3A_83, %jit3A_84, %jit3A_82 : i32
      %rem3A_86 = arith.remsi %scan3A_63, %select_n3A_85 : i32
      %ne3A_87 = arith.constant 0 : i32
      %ne3A_88 = arith.cmpi ne, %rem3A_86, %ne3A_87 : i32
      %lt3A = arith.constant 0 : i32
      %lt3A_89 = arith.cmpi slt, %rem3A_86, %lt3A : i32
      %lt3A_90 = arith.constant 0 : i32
      %lt3A_91 = arith.cmpi slt, %select_n3A_85, %lt3A_90 : i32
      %ne3A_92 = arith.xori %lt3A_89, %lt3A_91 : i1
      %and3A_93 = arith.andi %ne3A_92, %ne3A_88 : i1
      %add3A_94 = arith.addi %rem3A_86, %select_n3A_85 : i32
      %select_n3A_95 = arith.select %and3A_93, %add3A_94, %rem3A_86 : i32
      %mul3A_96 = arith.constant 16 : i32
      %mul3A_97 = arith.muli %select_n3A_95, %mul3A_96 : i32
      %swap3A = arith.index_cast %select_n3A : i32 to index
      %swap3A_98 = arith.index_cast %mul3A_97 : i32 to index
      %swap3A_99 = tpu.vector_load %arg14[%swap3A, %swap3A_98] {strides = array<i32>} : memref<632x64xf32, #tpu.memory_space<vmem>>, vector<1x16xf32>,
      %swap3A_100 = vector.shape_cast %swap3A_99 : vector<1x16xf32> to vector<16xf32>
      %swap3A_101 = vector.shape_cast %broadcast_in_dim3A_65 : vector<16xf32> to vector<1x16xf32>
      tpu.vector_store %arg14[%swap3A, %swap3A_98], %swap3A_101 {strides = array<i32>} : memref<632x64xf32, #tpu.memory_space<vmem>>, vector<1x16xf32>,
      %scan3A_102 = arith.constant 0 : i32
      scf.yield %scan3A_102 : i32
    }
    %scan3A_13 = arith.constant 2528 : i32
    %mul3A_14 = arith.constant 632 : i32
    %mul3A_15 = arith.muli %arg1, %mul3A_14 : i32
    "tpu.region"() ({
      %run_scoped3A = tpu.sem_alloc : memref<!tpu.dma_semaphore, #tpu.memory_space<semaphore_mem>>
      %dma_start3A_63 = arith.constant 0 : i32
      %dma_start3A_64 = tpu.memref_slice %arg15[%mul3A_15, %dma_start3A_63] : memref<10112x64xf32, #tpu.memory_space<vmem_shared>> -> memref<632x64xf32, #tpu.memory_space<vmem_shared>>
      %dma_start3A_65 = arith.constant 0 : i32
      %dma_start3A_66 = tpu.memref_slice %arg15[%mul3A_15, %dma_start3A_65] : memref<10112x64xf32, #tpu.memory_space<vmem_shared>> -> memref<632x64xf32, #tpu.memory_space<vmem_shared>>
      tpu.enqueue_dma source(%arg14 : memref<632x64xf32, #tpu.memory_space<vmem>>) target(%dma_start3A_66 : memref<632x64xf32, #tpu.memory_space<vmem_shared>>) target_semaphore(%run_scoped3A : memref<!tpu.dma_semaphore, #tpu.memory_space<semaphore_mem>>)
      %dma_wait3A_67 = arith.constant 0 : i32
      %dma_wait3A_68 = tpu.memref_slice %arg15[%mul3A_15, %dma_wait3A_67] : memref<10112x64xf32, #tpu.memory_space<vmem_shared>> -> memref<632x64xf32, #tpu.memory_space<vmem_shared>>
      %dma_wait3A_69 = arith.constant 0 : i32
      %dma_wait3A_70 = tpu.memref_slice %arg15[%mul3A_15, %dma_wait3A_69] : memref<10112x64xf32, #tpu.memory_space<vmem_shared>> -> memref<632x64xf32, #tpu.memory_space<vmem_shared>>
      tpu.wait_dma2 semaphore(%run_scoped3A : memref<!tpu.dma_semaphore, #tpu.memory_space<semaphore_mem>>) src(%arg14 : memref<632x64xf32, #tpu.memory_space<vmem>>) dst(%dma_wait3A_70 : memref<632x64xf32, #tpu.memory_space<vmem_shared>>)
      tpu.yield
    }) : () -> ()
    %dma_start3A_16 = arith.constant 0 : i32
    %dma_start3A_17 = arith.constant 0 : i32
    %dma_start3A_18 = tpu.memref_slice %arg3[%add3A, %dma_start3A_16, %dma_start3A_17] : memref<32x90x112xi32, #tpu.memory_space<hbm>> -> memref<1x1x112xi32, #tpu.memory_space<hbm>>
    %dma_start3A_19 = tpu.memref_squeeze %dma_start3A_18 : memref<1x1x112xi32, #tpu.memory_space<hbm>> -> memref<112xi32, #tpu.memory_space<hbm>>
    %dma_start3A_20 = arith.constant 0 : i32
    %dma_start3A_21 = tpu.memref_slice %arg3[%add3A, %dma_start3A_16, %dma_start3A_20] : memref<32x90x112xi32, #tpu.memory_space<hbm>> -> memref<1x1x112xi32, #tpu.memory_space<hbm>>
    %dma_start3A_22 = tpu.memref_squeeze %dma_start3A_21 : memref<1x1x112xi32, #tpu.memory_space<hbm>> -> memref<112xi32, #tpu.memory_space<hbm>>
    tpu.enqueue_dma source(%dma_start3A_22 : memref<112xi32, #tpu.memory_space<hbm>>) target(%arg6 : memref<112xi32, #tpu.memory_space<vmem>>) target_semaphore(%arg12 : memref<!tpu.dma_semaphore, #tpu.memory_space<semaphore_mem>>)
    %dma_start3A_23 = arith.constant 0 : i32
    %dma_start3A_24 = arith.constant 0 : i32
    %dma_start3A_25 = tpu.memref_slice %arg4[%add3A, %dma_start3A_23, %dma_start3A_24] : memref<32x90x112xi32, #tpu.memory_space<hbm>> -> memref<1x1x112xi32, #tpu.memory_space<hbm>>
    %dma_start3A_26 = tpu.memref_squeeze %dma_start3A_25 : memref<1x1x112xi32, #tpu.memory_space<hbm>> -> memref<112xi32, #tpu.memory_space<hbm>>
    %dma_start3A_27 = arith.constant 0 : i32
    %dma_start3A_28 = tpu.memref_slice %arg4[%add3A, %dma_start3A_23, %dma_start3A_27] : memref<32x90x112xi32, #tpu.memory_space<hbm>> -> memref<1x1x112xi32, #tpu.memory_space<hbm>>
    %dma_start3A_29 = tpu.memref_squeeze %dma_start3A_28 : memref<1x1x112xi32, #tpu.memory_space<hbm>> -> memref<112xi32, #tpu.memory_space<hbm>>
    tpu.enqueue_dma source(%dma_start3A_29 : memref<112xi32, #tpu.memory_space<hbm>>) target(%arg8 : memref<112xi32, #tpu.memory_space<vmem>>) target_semaphore(%arg12 : memref<!tpu.dma_semaphore, #tpu.memory_space<semaphore_mem>>)
    %dma_start3A_30 = arith.constant 1 : i32
    %dma_start3A_31 = arith.constant 0 : i32
    %dma_start3A_32 = tpu.memref_slice %arg3[%add3A, %dma_start3A_30, %dma_start3A_31] : memref<32x90x112xi32, #tpu.memory_space<hbm>> -> memref<1x1x112xi32, #tpu.memory_space<hbm>>
    %dma_start3A_33 = tpu.memref_squeeze %dma_start3A_32 : memref<1x1x112xi32, #tpu.memory_space<hbm>> -> memref<112xi32, #tpu.memory_space<hbm>>
    %dma_start3A_34 = arith.constant 0 : i32
    %dma_start3A_35 = tpu.memref_slice %arg3[%add3A, %dma_start3A_30, %dma_start3A_34] : memref<32x90x112xi32, #tpu.memory_space<hbm>> -> memref<1x1x112xi32, #tpu.memory_space<hbm>>
    %dma_start3A_36 = tpu.memref_squeeze %dma_start3A_35 : memref<1x1x112xi32, #tpu.memory_space<hbm>> -> memref<112xi32, #tpu.memory_space<hbm>>
    tpu.enqueue_dma source(%dma_start3A_36 : memref<112xi32, #tpu.memory_space<hbm>>) target(%arg7 : memref<112xi32, #tpu.memory_space<vmem>>) target_semaphore(%arg13 : memref<!tpu.dma_semaphore, #tpu.memory_space<semaphore_mem>>)
    %dma_start3A_37 = arith.constant 1 : i32
    %dma_start3A_38 = arith.constant 0 : i32
    %dma_start3A_39 = tpu.memref_slice %arg4[%add3A, %dma_start3A_37, %dma_start3A_38] : memref<32x90x112xi32, #tpu.memory_space<hbm>> -> memref<1x1x112xi32, #tpu.memory_space<hbm>>
    %dma_start3A_40 = tpu.memref_squeeze %dma_start3A_39 : memref<1x1x112xi32, #tpu.memory_space<hbm>> -> memref<112xi32, #tpu.memory_space<hbm>>
    %dma_start3A_41 = arith.constant 0 : i32
    %dma_start3A_42 = tpu.memref_slice %arg4[%add3A, %dma_start3A_37, %dma_start3A_41] : memref<32x90x112xi32, #tpu.memory_space<hbm>> -> memref<1x1x112xi32, #tpu.memory_space<hbm>>
    %dma_start3A_43 = tpu.memref_squeeze %dma_start3A_42 : memref<1x1x112xi32, #tpu.memory_space<hbm>> -> memref<112xi32, #tpu.memory_space<hbm>>
    tpu.enqueue_dma source(%dma_start3A_43 : memref<112xi32, #tpu.memory_space<hbm>>) target(%arg9 : memref<112xi32, #tpu.memory_space<vmem>>) target_semaphore(%arg13 : memref<!tpu.dma_semaphore, #tpu.memory_space<semaphore_mem>>)
    %mul3A_44 = arith.constant 632 : i32
    %mul3A_45 = arith.muli %arg1, %mul3A_44 : i32
    %mul3A_46 = arith.constant 632 : i32
    %mul3A_47 = arith.muli %arg1, %mul3A_46 : i32
    %dma_wait3A = arith.constant 0 : i32
    %dma_wait3A_48 = tpu.memref_slice %arg16[%mul3A_47, %dma_wait3A] : memref<10112x64xf32, #tpu.memory_space<vmem_shared>> -> memref<632x64xf32, #tpu.memory_space<vmem_shared>>
    %dma_wait3A_49 = arith.constant 0 : i32
    %dma_wait3A_50 = tpu.memref_slice %arg2[%mul3A_45, %dma_wait3A_49] : memref<10112x64xf32, #tpu.memory_space<hbm>> -> memref<632x64xf32, #tpu.memory_space<hbm>>
    tpu.wait_dma2 semaphore(%arg11 : memref<!tpu.dma_semaphore, #tpu.memory_space<semaphore_mem>>) src(%dma_wait3A_50 : memref<632x64xf32, #tpu.memory_space<hbm>>) dst(%dma_wait3A_48 : memref<632x64xf32, #tpu.memory_space<vmem_shared>>)
    %barrier3A = arith.constant 0 : index
    tpu.barrier barrier_id(%barrier3A)
    %scan3A_51 = arith.constant 0 : i32
    %scan3A_52 = arith.constant 0 : i32
    %scan3A_53 = arith.constant 45 : i32
    %scan3A_54 = arith.addi %scan3A_52, %scan3A_53 : i32
    %scan3A_55 = arith.constant 1 : i32
    %scan3A_56 = scf.for %scan3A_63 = %scan3A_52 to %scan3A_54 step %scan3A_55 iter_args(%scan3A_64 = %scan3A_51) -> (i32)  : i32 {
      %mul3A_65 = arith.constant 2 : i32
      %mul3A_66 = arith.muli %scan3A_63, %mul3A_65 : i32
      %add3A_67 = arith.constant 0 : i32
      %add3A_68 = arith.addi %mul3A_66, %add3A_67 : i32
      %dma_wait3A_69 = arith.constant 0 : i32
      %dma_wait3A_70 = tpu.memref_slice %arg3[%add3A, %add3A_68, %dma_wait3A_69] : memref<32x90x112xi32, #tpu.memory_space<hbm>> -> memref<1x1x112xi32, #tpu.memory_space<hbm>>
      %dma_wait3A_71 = tpu.memref_squeeze %dma_wait3A_70 : memref<1x1x112xi32, #tpu.memory_space<hbm>> -> memref<112xi32, #tpu.memory_space<hbm>>
      %dma_wait3A_72 = arith.constant 0 : i32
      %dma_wait3A_73 = tpu.memref_slice %arg3[%add3A, %add3A_68, %dma_wait3A_72] : memref<32x90x112xi32, #tpu.memory_space<hbm>> -> memref<1x1x112xi32, #tpu.memory_space<hbm>>
      %dma_wait3A_74 = tpu.memref_squeeze %dma_wait3A_73 : memref<1x1x112xi32, #tpu.memory_space<hbm>> -> memref<112xi32, #tpu.memory_space<hbm>>
      tpu.wait_dma2 semaphore(%arg12 : memref<!tpu.dma_semaphore, #tpu.memory_space<semaphore_mem>>) src(%dma_wait3A_74 : memref<112xi32, #tpu.memory_space<hbm>>) dst(%arg6 : memref<112xi32, #tpu.memory_space<vmem>>)
      %dma_wait3A_75 = arith.constant 0 : i32
      %dma_wait3A_76 = tpu.memref_slice %arg4[%add3A, %add3A_68, %dma_wait3A_75] : memref<32x90x112xi32, #tpu.memory_space<hbm>> -> memref<1x1x112xi32, #tpu.memory_space<hbm>>
      %dma_wait3A_77 = tpu.memref_squeeze %dma_wait3A_76 : memref<1x1x112xi32, #tpu.memory_space<hbm>> -> memref<112xi32, #tpu.memory_space<hbm>>
      %dma_wait3A_78 = arith.constant 0 : i32
      %dma_wait3A_79 = tpu.memref_slice %arg4[%add3A, %add3A_68, %dma_wait3A_78] : memref<32x90x112xi32, #tpu.memory_space<hbm>> -> memref<1x1x112xi32, #tpu.memory_space<hbm>>
      %dma_wait3A_80 = tpu.memref_squeeze %dma_wait3A_79 : memref<1x1x112xi32, #tpu.memory_space<hbm>> -> memref<112xi32, #tpu.memory_space<hbm>>
      tpu.wait_dma2 semaphore(%arg12 : memref<!tpu.dma_semaphore, #tpu.memory_space<semaphore_mem>>) src(%dma_wait3A_80 : memref<112xi32, #tpu.memory_space<hbm>>) dst(%arg8 : memref<112xi32, #tpu.memory_space<vmem>>)
      %dma_start3A_81 = arith.constant 0 : i32
      %dma_start3A_82 = arith.constant 0 : i32
      %dma_start3A_83 = tpu.memref_slice %arg16[%dma_start3A_81, %dma_start3A_82] : memref<10112x64xf32, #tpu.memory_space<vmem_shared>> -> memref<10112x64xf32, #tpu.memory_space<vmem_shared>>
      tpu.enqueue_indirect_dma source(%dma_start3A_83 : memref<10112x64xf32, #tpu.memory_space<vmem_shared>>) target(%arg10 : memref<112x64xf32, #tpu.memory_space<vmem>>) offsets(%arg6 : memref<112xi32, #tpu.memory_space<vmem>>) semaphore(%arg11 : memref<!tpu.dma_semaphore, #tpu.memory_space<semaphore_mem>>)
      %dma_wait3A_84 = arith.constant 0 : i32
      %dma_wait3A_85 = arith.constant 0 : i32
      %dma_wait3A_86 = tpu.memref_slice %arg16[%dma_wait3A_84, %dma_wait3A_85] : memref<10112x64xf32, #tpu.memory_space<vmem_shared>> -> memref<10112x64xf32, #tpu.memory_space<vmem_shared>>
      tpu.wait_indirect_dma semaphore(%arg11 : memref<!tpu.dma_semaphore, #tpu.memory_space<semaphore_mem>>) src(%dma_wait3A_86 : memref<10112x64xf32, #tpu.memory_space<vmem_shared>>) dst(%arg10 : memref<112x64xf32, #tpu.memory_space<vmem>>)
      "tpu.region"() ({
        %run_scoped3A = tpu.sem_alloc : memref<!tpu.dma_semaphore, #tpu.memory_space<semaphore_mem>>
        %dma_start3A_121 = arith.constant 0 : i32
        %dma_start3A_122 = arith.constant 0 : i32
        %dma_start3A_123 = tpu.memref_slice %arg15[%dma_start3A_121, %dma_start3A_122] : memref<10112x64xf32, #tpu.memory_space<vmem_shared>> -> memref<10112x64xf32, #tpu.memory_space<vmem_shared>>
        tpu.enqueue_indirect_dma source(%arg10 : memref<112x64xf32, #tpu.memory_space<vmem>>) target(%dma_start3A_123 : memref<10112x64xf32, #tpu.memory_space<vmem_shared>>) offsets(%arg8 : memref<112xi32, #tpu.memory_space<vmem>>) semaphore(%run_scoped3A : memref<!tpu.dma_semaphore, #tpu.memory_space<semaphore_mem>>) {add = true}
        %dma_wait3A_124 = arith.constant 0 : i32
        %dma_wait3A_125 = arith.constant 0 : i32
        %dma_wait3A_126 = tpu.memref_slice %arg15[%dma_wait3A_124, %dma_wait3A_125] : memref<10112x64xf32, #tpu.memory_space<vmem_shared>> -> memref<10112x64xf32, #tpu.memory_space<vmem_shared>>
        tpu.wait_indirect_dma semaphore(%run_scoped3A : memref<!tpu.dma_semaphore, #tpu.memory_space<semaphore_mem>>) src(%arg10 : memref<112x64xf32, #tpu.memory_space<vmem>>) dst(%dma_wait3A_126 : memref<10112x64xf32, #tpu.memory_space<vmem_shared>>)
        tpu.yield
      }) : () -> ()
      %add3A_87 = arith.constant 2 : i32
      %add3A_88 = arith.addi %add3A_68, %add3A_87 : i32
      %lt3A = arith.constant 90 : i32
      %lt3A_89 = arith.cmpi slt, %add3A_88, %lt3A : i32
      %convert_element_type3A = arith.extui %lt3A_89 : i1 to i32
      %cond3A = arith.constant 0 : i32
      %cond3A_90 = arith.cmpi ne, %convert_element_type3A, %cond3A : i32
      scf.if %cond3A_90 {
        %add3A_121 = arith.constant 2 : i32
        %add3A_122 = arith.addi %add3A_68, %add3A_121 : i32
        %dma_start3A_123 = arith.constant 0 : i32
        %dma_start3A_124 = tpu.memref_slice %arg3[%add3A, %add3A_122, %dma_start3A_123] : memref<32x90x112xi32, #tpu.memory_space<hbm>> -> memref<1x1x112xi32, #tpu.memory_space<hbm>>
        %dma_start3A_125 = tpu.memref_squeeze %dma_start3A_124 : memref<1x1x112xi32, #tpu.memory_space<hbm>> -> memref<112xi32, #tpu.memory_space<hbm>>
        %dma_start3A_126 = arith.constant 0 : i32
        %dma_start3A_127 = tpu.memref_slice %arg3[%add3A, %add3A_122, %dma_start3A_126] : memref<32x90x112xi32, #tpu.memory_space<hbm>> -> memref<1x1x112xi32, #tpu.memory_space<hbm>>
        %dma_start3A_128 = tpu.memref_squeeze %dma_start3A_127 : memref<1x1x112xi32, #tpu.memory_space<hbm>> -> memref<112xi32, #tpu.memory_space<hbm>>
        tpu.enqueue_dma source(%dma_start3A_128 : memref<112xi32, #tpu.memory_space<hbm>>) target(%arg6 : memref<112xi32, #tpu.memory_space<vmem>>) target_semaphore(%arg12 : memref<!tpu.dma_semaphore, #tpu.memory_space<semaphore_mem>>)
        %add3A_129 = arith.constant 2 : i32
        %add3A_130 = arith.addi %add3A_68, %add3A_129 : i32
        %dma_start3A_131 = arith.constant 0 : i32
        %dma_start3A_132 = tpu.memref_slice %arg4[%add3A, %add3A_130, %dma_start3A_131] : memref<32x90x112xi32, #tpu.memory_space<hbm>> -> memref<1x1x112xi32, #tpu.memory_space<hbm>>
        %dma_start3A_133 = tpu.memref_squeeze %dma_start3A_132 : memref<1x1x112xi32, #tpu.memory_space<hbm>> -> memref<112xi32, #tpu.memory_space<hbm>>
        %dma_start3A_134 = arith.constant 0 : i32
        %dma_start3A_135 = tpu.memref_slice %arg4[%add3A, %add3A_130, %dma_start3A_134] : memref<32x90x112xi32, #tpu.memory_space<hbm>> -> memref<1x1x112xi32, #tpu.memory_space<hbm>>
        %dma_start3A_136 = tpu.memref_squeeze %dma_start3A_135 : memref<1x1x112xi32, #tpu.memory_space<hbm>> -> memref<112xi32, #tpu.memory_space<hbm>>
        tpu.enqueue_dma source(%dma_start3A_136 : memref<112xi32, #tpu.memory_space<hbm>>) target(%arg8 : memref<112xi32, #tpu.memory_space<vmem>>) target_semaphore(%arg12 : memref<!tpu.dma_semaphore, #tpu.memory_space<semaphore_mem>>)
      } else {
      }
      %mul3A_91 = arith.constant 2 : i32
      %mul3A_92 = arith.muli %scan3A_63, %mul3A_91 : i32
      %add3A_93 = arith.constant 1 : i32
      %add3A_94 = arith.addi %mul3A_92, %add3A_93 : i32
      %dma_wait3A_95 = arith.constant 0 : i32
      %dma_wait3A_96 = tpu.memref_slice %arg3[%add3A, %add3A_94, %dma_wait3A_95] : memref<32x90x112xi32, #tpu.memory_space<hbm>> -> memref<1x1x112xi32, #tpu.memory_space<hbm>>
      %dma_wait3A_97 = tpu.memref_squeeze %dma_wait3A_96 : memref<1x1x112xi32, #tpu.memory_space<hbm>> -> memref<112xi32, #tpu.memory_space<hbm>>
      %dma_wait3A_98 = arith.constant 0 : i32
      %dma_wait3A_99 = tpu.memref_slice %arg3[%add3A, %add3A_94, %dma_wait3A_98] : memref<32x90x112xi32, #tpu.memory_space<hbm>> -> memref<1x1x112xi32, #tpu.memory_space<hbm>>
      %dma_wait3A_100 = tpu.memref_squeeze %dma_wait3A_99 : memref<1x1x112xi32, #tpu.memory_space<hbm>> -> memref<112xi32, #tpu.memory_space<hbm>>
      tpu.wait_dma2 semaphore(%arg13 : memref<!tpu.dma_semaphore, #tpu.memory_space<semaphore_mem>>) src(%dma_wait3A_100 : memref<112xi32, #tpu.memory_space<hbm>>) dst(%arg7 : memref<112xi32, #tpu.memory_space<vmem>>)
      %dma_wait3A_101 = arith.constant 0 : i32
      %dma_wait3A_102 = tpu.memref_slice %arg4[%add3A, %add3A_94, %dma_wait3A_101] : memref<32x90x112xi32, #tpu.memory_space<hbm>> -> memref<1x1x112xi32, #tpu.memory_space<hbm>>
      %dma_wait3A_103 = tpu.memref_squeeze %dma_wait3A_102 : memref<1x1x112xi32, #tpu.memory_space<hbm>> -> memref<112xi32, #tpu.memory_space<hbm>>
      %dma_wait3A_104 = arith.constant 0 : i32
      %dma_wait3A_105 = tpu.memref_slice %arg4[%add3A, %add3A_94, %dma_wait3A_104] : memref<32x90x112xi32, #tpu.memory_space<hbm>> -> memref<1x1x112xi32, #tpu.memory_space<hbm>>
      %dma_wait3A_106 = tpu.memref_squeeze %dma_wait3A_105 : memref<1x1x112xi32, #tpu.memory_space<hbm>> -> memref<112xi32, #tpu.memory_space<hbm>>
      tpu.wait_dma2 semaphore(%arg13 : memref<!tpu.dma_semaphore, #tpu.memory_space<semaphore_mem>>) src(%dma_wait3A_106 : memref<112xi32, #tpu.memory_space<hbm>>) dst(%arg9 : memref<112xi32, #tpu.memory_space<vmem>>)
      %dma_start3A_107 = arith.constant 0 : i32
      %dma_start3A_108 = arith.constant 0 : i32
      %dma_start3A_109 = tpu.memref_slice %arg16[%dma_start3A_107, %dma_start3A_108] : memref<10112x64xf32, #tpu.memory_space<vmem_shared>> -> memref<10112x64xf32, #tpu.memory_space<vmem_shared>>
      tpu.enqueue_indirect_dma source(%dma_start3A_109 : memref<10112x64xf32, #tpu.memory_space<vmem_shared>>) target(%arg10 : memref<112x64xf32, #tpu.memory_space<vmem>>) offsets(%arg7 : memref<112xi32, #tpu.memory_space<vmem>>) semaphore(%arg11 : memref<!tpu.dma_semaphore, #tpu.memory_space<semaphore_mem>>)
      %dma_wait3A_110 = arith.constant 0 : i32
      %dma_wait3A_111 = arith.constant 0 : i32
      %dma_wait3A_112 = tpu.memref_slice %arg16[%dma_wait3A_110, %dma_wait3A_111] : memref<10112x64xf32, #tpu.memory_space<vmem_shared>> -> memref<10112x64xf32, #tpu.memory_space<vmem_shared>>
      tpu.wait_indirect_dma semaphore(%arg11 : memref<!tpu.dma_semaphore, #tpu.memory_space<semaphore_mem>>) src(%dma_wait3A_112 : memref<10112x64xf32, #tpu.memory_space<vmem_shared>>) dst(%arg10 : memref<112x64xf32, #tpu.memory_space<vmem>>)
      "tpu.region"() ({
        %run_scoped3A = tpu.sem_alloc : memref<!tpu.dma_semaphore, #tpu.memory_space<semaphore_mem>>
        %dma_start3A_121 = arith.constant 0 : i32
        %dma_start3A_122 = arith.constant 0 : i32
        %dma_start3A_123 = tpu.memref_slice %arg15[%dma_start3A_121, %dma_start3A_122] : memref<10112x64xf32, #tpu.memory_space<vmem_shared>> -> memref<10112x64xf32, #tpu.memory_space<vmem_shared>>
        tpu.enqueue_indirect_dma source(%arg10 : memref<112x64xf32, #tpu.memory_space<vmem>>) target(%dma_start3A_123 : memref<10112x64xf32, #tpu.memory_space<vmem_shared>>) offsets(%arg9 : memref<112xi32, #tpu.memory_space<vmem>>) semaphore(%run_scoped3A : memref<!tpu.dma_semaphore, #tpu.memory_space<semaphore_mem>>) {add = true}
        %dma_wait3A_124 = arith.constant 0 : i32
        %dma_wait3A_125 = arith.constant 0 : i32
        %dma_wait3A_126 = tpu.memref_slice %arg15[%dma_wait3A_124, %dma_wait3A_125] : memref<10112x64xf32, #tpu.memory_space<vmem_shared>> -> memref<10112x64xf32, #tpu.memory_space<vmem_shared>>
        tpu.wait_indirect_dma semaphore(%run_scoped3A : memref<!tpu.dma_semaphore, #tpu.memory_space<semaphore_mem>>) src(%arg10 : memref<112x64xf32, #tpu.memory_space<vmem>>) dst(%dma_wait3A_126 : memref<10112x64xf32, #tpu.memory_space<vmem_shared>>)
        tpu.yield
      }) : () -> ()
      %add3A_113 = arith.constant 2 : i32
      %add3A_114 = arith.addi %add3A_94, %add3A_113 : i32
      %lt3A_115 = arith.constant 90 : i32
      %lt3A_116 = arith.cmpi slt, %add3A_114, %lt3A_115 : i32
      %convert_element_type3A_117 = arith.extui %lt3A_116 : i1 to i32
      %cond3A_118 = arith.constant 0 : i32
      %cond3A_119 = arith.cmpi ne, %convert_element_type3A_117, %cond3A_118 : i32
      scf.if %cond3A_119 {
        %add3A_121 = arith.constant 2 : i32
        %add3A_122 = arith.addi %add3A_94, %add3A_121 : i32
        %dma_start3A_123 = arith.constant 0 : i32
        %dma_start3A_124 = tpu.memref_slice %arg3[%add3A, %add3A_122, %dma_start3A_123] : memref<32x90x112xi32, #tpu.memory_space<hbm>> -> memref<1x1x112xi32, #tpu.memory_space<hbm>>
        %dma_start3A_125 = tpu.memref_squeeze %dma_start3A_124 : memref<1x1x112xi32, #tpu.memory_space<hbm>> -> memref<112xi32, #tpu.memory_space<hbm>>
        %dma_start3A_126 = arith.constant 0 : i32
        %dma_start3A_127 = tpu.memref_slice %arg3[%add3A, %add3A_122, %dma_start3A_126] : memref<32x90x112xi32, #tpu.memory_space<hbm>> -> memref<1x1x112xi32, #tpu.memory_space<hbm>>
        %dma_start3A_128 = tpu.memref_squeeze %dma_start3A_127 : memref<1x1x112xi32, #tpu.memory_space<hbm>> -> memref<112xi32, #tpu.memory_space<hbm>>
        tpu.enqueue_dma source(%dma_start3A_128 : memref<112xi32, #tpu.memory_space<hbm>>) target(%arg7 : memref<112xi32, #tpu.memory_space<vmem>>) target_semaphore(%arg13 : memref<!tpu.dma_semaphore, #tpu.memory_space<semaphore_mem>>)
        %add3A_129 = arith.constant 2 : i32
        %add3A_130 = arith.addi %add3A_94, %add3A_129 : i32
        %dma_start3A_131 = arith.constant 0 : i32
        %dma_start3A_132 = tpu.memref_slice %arg4[%add3A, %add3A_130, %dma_start3A_131] : memref<32x90x112xi32, #tpu.memory_space<hbm>> -> memref<1x1x112xi32, #tpu.memory_space<hbm>>
        %dma_start3A_133 = tpu.memref_squeeze %dma_start3A_132 : memref<1x1x112xi32, #tpu.memory_space<hbm>> -> memref<112xi32, #tpu.memory_space<hbm>>
        %dma_start3A_134 = arith.constant 0 : i32
        %dma_start3A_135 = tpu.memref_slice %arg4[%add3A, %add3A_130, %dma_start3A_134] : memref<32x90x112xi32, #tpu.memory_space<hbm>> -> memref<1x1x112xi32, #tpu.memory_space<hbm>>
        %dma_start3A_136 = tpu.memref_squeeze %dma_start3A_135 : memref<1x1x112xi32, #tpu.memory_space<hbm>> -> memref<112xi32, #tpu.memory_space<hbm>>
        tpu.enqueue_dma source(%dma_start3A_136 : memref<112xi32, #tpu.memory_space<hbm>>) target(%arg9 : memref<112xi32, #tpu.memory_space<vmem>>) target_semaphore(%arg13 : memref<!tpu.dma_semaphore, #tpu.memory_space<semaphore_mem>>)
      } else {
      }
      %scan3A_120 = arith.constant 0 : i32
      scf.yield %scan3A_120 : i32
    }
    %scan3A_57 = arith.constant 45 : i32
    %barrier3A_58 = arith.constant 0 : index
    tpu.barrier barrier_id(%barrier3A_58)
    %mul3A_59 = arith.constant 632 : i32
    %mul3A_60 = arith.muli %arg1, %mul3A_59 : i32
    %mul3A_61 = arith.constant 632 : i32
    %mul3A_62 = arith.muli %arg1, %mul3A_61 : i32
    "tpu.region"() ({
      %run_scoped3A = tpu.sem_alloc : memref<!tpu.dma_semaphore, #tpu.memory_space<semaphore_mem>>
      %dma_start3A_63 = arith.constant 0 : i32
      %dma_start3A_64 = tpu.memref_slice %arg5[%arg0, %mul3A_62, %dma_start3A_63] : memref<2x10112x64xf32, #tpu.memory_space<hbm>> -> memref<1x632x64xf32, #tpu.memory_space<hbm>>
      %dma_start3A_65 = tpu.memref_squeeze %dma_start3A_64 : memref<1x632x64xf32, #tpu.memory_space<hbm>> -> memref<632x64xf32, #tpu.memory_space<hbm>>
      %dma_start3A_66 = arith.constant 0 : i32
      %dma_start3A_67 = tpu.memref_slice %arg15[%mul3A_60, %dma_start3A_66] : memref<10112x64xf32, #tpu.memory_space<vmem_shared>> -> memref<632x64xf32, #tpu.memory_space<vmem_shared>>
      tpu.enqueue_dma source(%dma_start3A_67 : memref<632x64xf32, #tpu.memory_space<vmem_shared>>) target(%dma_start3A_65 : memref<632x64xf32, #tpu.memory_space<hbm>>) target_semaphore(%run_scoped3A : memref<!tpu.dma_semaphore, #tpu.memory_space<semaphore_mem>>)
      %dma_wait3A_68 = arith.constant 0 : i32
      %dma_wait3A_69 = tpu.memref_slice %arg5[%arg0, %mul3A_62, %dma_wait3A_68] : memref<2x10112x64xf32, #tpu.memory_space<hbm>> -> memref<1x632x64xf32, #tpu.memory_space<hbm>>
      %dma_wait3A_70 = tpu.memref_squeeze %dma_wait3A_69 : memref<1x632x64xf32, #tpu.memory_space<hbm>> -> memref<632x64xf32, #tpu.memory_space<hbm>>
      %dma_wait3A_71 = arith.constant 0 : i32
      %dma_wait3A_72 = tpu.memref_slice %arg15[%mul3A_60, %dma_wait3A_71] : memref<10112x64xf32, #tpu.memory_space<vmem_shared>> -> memref<632x64xf32, #tpu.memory_space<vmem_shared>>
      tpu.wait_dma2 semaphore(%run_scoped3A : memref<!tpu.dma_semaphore, #tpu.memory_space<semaphore_mem>>) src(%dma_wait3A_72 : memref<632x64xf32, #tpu.memory_space<vmem_shared>>) dst(%dma_wait3A_70 : memref<632x64xf32, #tpu.memory_space<hbm>>)
      tpu.yield
    }) : () -> ()
    return
  }
}

module attributes {stable_mosaic.version = 14 : i64} {
  func.func @_mlp_pool_body(%arg0: memref<10000x128xf32, #tpu.memory_space<vmem>>, %arg1: memref<1x10000xi32, #tpu.memory_space<vmem>>, %arg2: memref<128x64xf32, #tpu.memory_space<vmem>>, %arg3: memref<1x64xf32, #tpu.memory_space<vmem>>, %arg4: memref<1x64xf32, #tpu.memory_space<vmem>>, %arg5: memref<1x64xf32, #tpu.memory_space<vmem>>, %arg6: memref<64x64xf32, #tpu.memory_space<vmem>>, %arg7: memref<1x64xf32, #tpu.memory_space<vmem>>, %arg8: memref<1x64xf32, #tpu.memory_space<vmem>>, %arg9: memref<1x64xf32, #tpu.memory_space<vmem>>, %arg10: memref<64x8xf32, #tpu.memory_space<vmem>>, %arg11: memref<1x8xf32, #tpu.memory_space<vmem>>, %arg12: memref<128x8xf32, #tpu.memory_space<vmem>>, %arg13: memref<10112x64xf32, #tpu.memory_space<vmem>>, %arg14: memref<128x8xf32, #tpu.memory_space<vmem>>) attributes {dimension_semantics = [], scalar_prefetch = 0 : i64, scratch_operands = 0 : i64, tpu.core_type = #tpu.core_type<tc>} {
    %get3A = arith.constant 0 : index
    %get3A_0 = arith.constant 0 : index
    %get3A_1 = vector.load %arg0[%get3A, %get3A_0] : memref<10000x128xf32, #tpu.memory_space<vmem>>, vector<10000x128xf32>
    %get3A_2 = arith.constant 0 : index
    %get3A_3 = arith.constant 0 : index
    %get3A_4 = vector.load %arg2[%get3A_2, %get3A_3] : memref<128x64xf32, #tpu.memory_space<vmem>>, vector<128x64xf32>
    %dot_general3A = arith.constant dense<0.000000e+00> : vector<10000x64xf32>
    %dot_general3A_5 = tpu.matmul %get3A_1, %get3A_4, %dot_general3A {dimension_numbers = #tpu.dot_dimension_numbers<[1], [0], [0], [1], [0, 0, 1, 1], [], []>, transpose_lhs_hint = false} : vector<10000x128xf32>, vector<128x64xf32>, vector<10000x64xf32> -> vector<10000x64xf32>
    %get3A_6 = arith.constant 0 : index
    %get3A_7 = arith.constant 0 : index
    %get3A_8 = vector.load %arg3[%get3A_6, %get3A_7] : memref<1x64xf32, #tpu.memory_space<vmem>>, vector<1x64xf32>
    %add3A = vector.broadcast %get3A_8 : vector<1x64xf32> to vector<10000x64xf32>
    %add3A_9 = arith.addf %dot_general3A_5, %add3A : vector<10000x64xf32>
    %get3A_10 = arith.constant 0 : index
    %get3A_11 = arith.constant 0 : index
    %get3A_12 = vector.load %arg4[%get3A_10, %get3A_11] : memref<1x64xf32, #tpu.memory_space<vmem>>, vector<1x64xf32>
    %get3A_13 = arith.constant 0 : index
    %get3A_14 = arith.constant 0 : index
    %get3A_15 = vector.load %arg5[%get3A_13, %get3A_14] : memref<1x64xf32, #tpu.memory_space<vmem>>, vector<1x64xf32>
    %reduce_sum3A = arith.constant dense<0.000000e+00> : vector<64xf32>
    %reduce_sum3A_16 = vector.multi_reduction <add>, %add3A_9, %reduce_sum3A [0] : vector<10000x64xf32> to vector<64xf32>
    %broadcast_in_dim3A = vector.shape_cast %reduce_sum3A_16 : vector<64xf32> to vector<1x64xf32>
    %div3A = arith.constant 1.000000e+04 : f32
    %div3A_17 = vector.broadcast %div3A : f32 to vector<1x64xf32>
    %div3A_18 = arith.divf %broadcast_in_dim3A, %div3A_17 : vector<1x64xf32>
    %sub3A = vector.broadcast %div3A_18 : vector<1x64xf32> to vector<10000x64xf32>
    %sub3A_19 = arith.subf %add3A_9, %sub3A : vector<10000x64xf32>
    %sub3A_20 = vector.broadcast %div3A_18 : vector<1x64xf32> to vector<10000x64xf32>
    %sub3A_21 = arith.subf %add3A_9, %sub3A_20 : vector<10000x64xf32>
    %mul3A = arith.mulf %sub3A_19, %sub3A_21 : vector<10000x64xf32>
    %reduce_sum3A_22 = arith.constant dense<0.000000e+00> : vector<64xf32>
    %reduce_sum3A_23 = vector.multi_reduction <add>, %mul3A, %reduce_sum3A_22 [0] : vector<10000x64xf32> to vector<64xf32>
    %broadcast_in_dim3A_24 = vector.shape_cast %reduce_sum3A_23 : vector<64xf32> to vector<1x64xf32>
    %div3A_25 = arith.constant 1.000000e+04 : f32
    %div3A_26 = vector.broadcast %div3A_25 : f32 to vector<1x64xf32>
    %div3A_27 = arith.divf %broadcast_in_dim3A_24, %div3A_26 : vector<1x64xf32>
    %sub3A_28 = vector.broadcast %div3A_18 : vector<1x64xf32> to vector<10000x64xf32>
    %sub3A_29 = arith.subf %add3A_9, %sub3A_28 : vector<10000x64xf32>
    %add3A_30 = arith.constant 9.99999974E-6 : f32
    %add3A_31 = vector.broadcast %add3A_30 : f32 to vector<1x64xf32>
    %add3A_32 = arith.addf %div3A_27, %add3A_31 : vector<1x64xf32>
    %sqrt3A = math.sqrt %add3A_32 : vector<1x64xf32>
    %div3A_33 = vector.broadcast %sqrt3A : vector<1x64xf32> to vector<10000x64xf32>
    %div3A_34 = arith.divf %sub3A_29, %div3A_33 : vector<10000x64xf32>
    %mul3A_35 = vector.broadcast %get3A_12 : vector<1x64xf32> to vector<10000x64xf32>
    %mul3A_36 = arith.mulf %div3A_34, %mul3A_35 : vector<10000x64xf32>
    %add3A_37 = vector.broadcast %get3A_15 : vector<1x64xf32> to vector<10000x64xf32>
    %add3A_38 = arith.addf %mul3A_36, %add3A_37 : vector<10000x64xf32>
    %max3A = arith.constant 0.000000e+00 : f32
    %max3A_39 = vector.broadcast %max3A : f32 to vector<10000x64xf32>
    %max3A_40 = arith.maximumf %add3A_38, %max3A_39 : vector<10000x64xf32>
    %get3A_41 = arith.constant 0 : index
    %get3A_42 = arith.constant 0 : index
    %get3A_43 = vector.load %arg6[%get3A_41, %get3A_42] : memref<64x64xf32, #tpu.memory_space<vmem>>, vector<64x64xf32>
    %dot_general3A_44 = arith.constant dense<0.000000e+00> : vector<10000x64xf32>
    %dot_general3A_45 = tpu.matmul %max3A_40, %get3A_43, %dot_general3A_44 {dimension_numbers = #tpu.dot_dimension_numbers<[1], [0], [0], [1], [0, 0, 1, 1], [], []>, transpose_lhs_hint = false} : vector<10000x64xf32>, vector<64x64xf32>, vector<10000x64xf32> -> vector<10000x64xf32>
    %get3A_46 = arith.constant 0 : index
    %get3A_47 = arith.constant 0 : index
    %get3A_48 = vector.load %arg7[%get3A_46, %get3A_47] : memref<1x64xf32, #tpu.memory_space<vmem>>, vector<1x64xf32>
    %add3A_49 = vector.broadcast %get3A_48 : vector<1x64xf32> to vector<10000x64xf32>
    %add3A_50 = arith.addf %dot_general3A_45, %add3A_49 : vector<10000x64xf32>
    %get3A_51 = arith.constant 0 : index
    %get3A_52 = arith.constant 0 : index
    %get3A_53 = vector.load %arg8[%get3A_51, %get3A_52] : memref<1x64xf32, #tpu.memory_space<vmem>>, vector<1x64xf32>
    %get3A_54 = arith.constant 0 : index
    %get3A_55 = arith.constant 0 : index
    %get3A_56 = vector.load %arg9[%get3A_54, %get3A_55] : memref<1x64xf32, #tpu.memory_space<vmem>>, vector<1x64xf32>
    %reduce_sum3A_57 = arith.constant dense<0.000000e+00> : vector<64xf32>
    %reduce_sum3A_58 = vector.multi_reduction <add>, %add3A_50, %reduce_sum3A_57 [0] : vector<10000x64xf32> to vector<64xf32>
    %broadcast_in_dim3A_59 = vector.shape_cast %reduce_sum3A_58 : vector<64xf32> to vector<1x64xf32>
    %div3A_60 = arith.constant 1.000000e+04 : f32
    %div3A_61 = vector.broadcast %div3A_60 : f32 to vector<1x64xf32>
    %div3A_62 = arith.divf %broadcast_in_dim3A_59, %div3A_61 : vector<1x64xf32>
    %sub3A_63 = vector.broadcast %div3A_62 : vector<1x64xf32> to vector<10000x64xf32>
    %sub3A_64 = arith.subf %add3A_50, %sub3A_63 : vector<10000x64xf32>
    %sub3A_65 = vector.broadcast %div3A_62 : vector<1x64xf32> to vector<10000x64xf32>
    %sub3A_66 = arith.subf %add3A_50, %sub3A_65 : vector<10000x64xf32>
    %mul3A_67 = arith.mulf %sub3A_64, %sub3A_66 : vector<10000x64xf32>
    %reduce_sum3A_68 = arith.constant dense<0.000000e+00> : vector<64xf32>
    %reduce_sum3A_69 = vector.multi_reduction <add>, %mul3A_67, %reduce_sum3A_68 [0] : vector<10000x64xf32> to vector<64xf32>
    %broadcast_in_dim3A_70 = vector.shape_cast %reduce_sum3A_69 : vector<64xf32> to vector<1x64xf32>
    %div3A_71 = arith.constant 1.000000e+04 : f32
    %div3A_72 = vector.broadcast %div3A_71 : f32 to vector<1x64xf32>
    %div3A_73 = arith.divf %broadcast_in_dim3A_70, %div3A_72 : vector<1x64xf32>
    %sub3A_74 = vector.broadcast %div3A_62 : vector<1x64xf32> to vector<10000x64xf32>
    %sub3A_75 = arith.subf %add3A_50, %sub3A_74 : vector<10000x64xf32>
    %add3A_76 = arith.constant 9.99999974E-6 : f32
    %add3A_77 = vector.broadcast %add3A_76 : f32 to vector<1x64xf32>
    %add3A_78 = arith.addf %div3A_73, %add3A_77 : vector<1x64xf32>
    %sqrt3A_79 = math.sqrt %add3A_78 : vector<1x64xf32>
    %div3A_80 = vector.broadcast %sqrt3A_79 : vector<1x64xf32> to vector<10000x64xf32>
    %div3A_81 = arith.divf %sub3A_75, %div3A_80 : vector<10000x64xf32>
    %mul3A_82 = vector.broadcast %get3A_53 : vector<1x64xf32> to vector<10000x64xf32>
    %mul3A_83 = arith.mulf %div3A_81, %mul3A_82 : vector<10000x64xf32>
    %add3A_84 = vector.broadcast %get3A_56 : vector<1x64xf32> to vector<10000x64xf32>
    %add3A_85 = arith.addf %mul3A_83, %add3A_84 : vector<10000x64xf32>
    %max3A_86 = arith.constant 0.000000e+00 : f32
    %max3A_87 = vector.broadcast %max3A_86 : f32 to vector<10000x64xf32>
    %max3A_88 = arith.maximumf %add3A_85, %max3A_87 : vector<10000x64xf32>
    %swap3A = arith.constant 0 : index
    %swap3A_89 = arith.constant 0 : index
    %swap3A_90 = vector.load %arg13[%swap3A, %swap3A_89] : memref<10112x64xf32, #tpu.memory_space<vmem>>, vector<10000x64xf32>
    tpu.vector_store %arg13[%swap3A, %swap3A_89], %max3A_88 {strides = array<i32>} : memref<10112x64xf32, #tpu.memory_space<vmem>>, vector<10000x64xf32>,
    %broadcast_in_dim3A_91 = arith.constant 0.000000e+00 : f32
    %broadcast_in_dim3A_92 = vector.broadcast %broadcast_in_dim3A_91 : f32 to vector<112x64xf32>
    %swap3A_93 = arith.constant 10000 : index
    %swap3A_94 = arith.constant 0 : index
    %swap3A_95 = vector.load %arg13[%swap3A_93, %swap3A_94] : memref<10112x64xf32, #tpu.memory_space<vmem>>, vector<112x64xf32>
    tpu.vector_store %arg13[%swap3A_93, %swap3A_94], %broadcast_in_dim3A_92 {strides = array<i32>} : memref<10112x64xf32, #tpu.memory_space<vmem>>, vector<112x64xf32>,
    %iota3A = tpu.iota {dimensions = array<i32: 0>} : vector<128x10000xi32>
    %get3A_96 = arith.constant 0 : index
    %get3A_97 = arith.constant 0 : index
    %get3A_98 = vector.load %arg1[%get3A_96, %get3A_97] : memref<1x10000xi32, #tpu.memory_space<vmem>>, vector<1x10000xi32>
    %eq3A = vector.broadcast %get3A_98 : vector<1x10000xi32> to vector<128x10000xi32>
    %eq3A_99 = arith.cmpi eq, %iota3A, %eq3A : vector<128x10000xi32>
    %convert_element_type3A = arith.extui %eq3A_99 : vector<128x10000xi1> to vector<128x10000xi32>
    %convert_element_type3A_100 = arith.sitofp %convert_element_type3A : vector<128x10000xi32> to vector<128x10000xf32>
    %dot_general3A_101 = arith.constant dense<0.000000e+00> : vector<128x64xf32>
    %dot_general3A_102 = tpu.matmul %convert_element_type3A_100, %max3A_88, %dot_general3A_101 {dimension_numbers = #tpu.dot_dimension_numbers<[1], [0], [0], [1], [0, 0, 1, 1], [], []>, transpose_lhs_hint = false} : vector<128x10000xf32>, vector<10000x64xf32>, vector<128x64xf32> -> vector<128x64xf32>
    %reduce_sum3A_103 = arith.constant dense<0.000000e+00> : vector<128xf32>
    %reduce_sum3A_104 = vector.multi_reduction <add>, %convert_element_type3A_100, %reduce_sum3A_103 [1] : vector<128x10000xf32> to vector<128xf32>
    %broadcast_in_dim3A_105 = vector.shape_cast %reduce_sum3A_104 : vector<128xf32> to vector<128x1xf32>
    %get3A_106 = arith.constant 0 : index
    %get3A_107 = arith.constant 0 : index
    %get3A_108 = vector.load %arg11[%get3A_106, %get3A_107] : memref<1x8xf32, #tpu.memory_space<vmem>>, vector<1x8xf32>
    %mul3A_109 = vector.broadcast %broadcast_in_dim3A_105 : vector<128x1xf32> to vector<128x8xf32>
    %mul3A_110 = vector.broadcast %get3A_108 : vector<1x8xf32> to vector<128x8xf32>
    %mul3A_111 = arith.mulf %mul3A_109, %mul3A_110 : vector<128x8xf32>
    %get3A_112 = arith.constant 0 : index
    %get3A_113 = arith.constant 0 : index
    %get3A_114 = vector.load %arg12[%get3A_112, %get3A_113] : memref<128x8xf32, #tpu.memory_space<vmem>>, vector<128x8xf32>
    %get3A_115 = arith.constant 0 : index
    %get3A_116 = arith.constant 0 : index
    %get3A_117 = vector.load %arg10[%get3A_115, %get3A_116] : memref<64x8xf32, #tpu.memory_space<vmem>>, vector<64x8xf32>
    %dot_general3A_118 = arith.constant dense<0.000000e+00> : vector<128x8xf32>
    %dot_general3A_119 = tpu.matmul %dot_general3A_102, %get3A_117, %dot_general3A_118 {dimension_numbers = #tpu.dot_dimension_numbers<[1], [0], [0], [1], [0, 0, 1, 1], [], []>, transpose_lhs_hint = false} : vector<128x64xf32>, vector<64x8xf32>, vector<128x8xf32> -> vector<128x8xf32>
    %add3A_120 = arith.addf %get3A_114, %dot_general3A_119 : vector<128x8xf32>
    %add3A_121 = arith.addf %add3A_120, %mul3A_111 : vector<128x8xf32>
    %swap3A_122 = arith.constant 0 : index
    %swap3A_123 = arith.constant 0 : index
    %swap3A_124 = vector.load %arg14[%swap3A_122, %swap3A_123] : memref<128x8xf32, #tpu.memory_space<vmem>>, vector<128x8xf32>
    tpu.vector_store %arg14[%swap3A_122, %swap3A_123], %add3A_121 {strides = array<i32>} : memref<128x8xf32, #tpu.memory_space<vmem>>, vector<128x8xf32>,
    return
  }
}

module attributes {stable_mosaic.version = 14 : i64} {
  func.func @_mlp_pool_body(%arg0: memref<10112x64xf32, #tpu.memory_space<vmem>>, %arg1: memref<10112x64xf32, #tpu.memory_space<vmem>>, %arg2: memref<10112x64xf32, #tpu.memory_space<vmem>>, %arg3: memref<1x1xf32, #tpu.memory_space<vmem>>, %arg4: memref<1x10000xi32, #tpu.memory_space<vmem>>, %arg5: memref<64x64xf32, #tpu.memory_space<vmem>>, %arg6: memref<1x64xf32, #tpu.memory_space<vmem>>, %arg7: memref<1x64xf32, #tpu.memory_space<vmem>>, %arg8: memref<1x64xf32, #tpu.memory_space<vmem>>, %arg9: memref<64x64xf32, #tpu.memory_space<vmem>>, %arg10: memref<1x64xf32, #tpu.memory_space<vmem>>, %arg11: memref<1x64xf32, #tpu.memory_space<vmem>>, %arg12: memref<1x64xf32, #tpu.memory_space<vmem>>, %arg13: memref<64x8xf32, #tpu.memory_space<vmem>>, %arg14: memref<1x8xf32, #tpu.memory_space<vmem>>, %arg15: memref<128x8xf32, #tpu.memory_space<vmem>>, %arg16: memref<10112x64xf32, #tpu.memory_space<vmem>>, %arg17: memref<128x8xf32, #tpu.memory_space<vmem>>) attributes {dimension_semantics = [], scalar_prefetch = 0 : i64, scratch_operands = 0 : i64, tpu.core_type = #tpu.core_type<tc>} {
    %get3A = arith.constant 0 : index
    %get3A_0 = arith.constant 0 : index
    %get3A_1 = vector.load %arg3[%get3A, %get3A_0] : memref<1x1xf32, #tpu.memory_space<vmem>>, vector<1x1xf32>
    %get3A_2 = vector.extract %get3A_1[0, 0] : f32 from vector<1x1xf32>
    %add3A = arith.constant 1.000000e+00 : f32
    %add3A_3 = arith.addf %add3A, %get3A_2 : f32
    %get3A_4 = arith.constant 0 : index
    %get3A_5 = arith.constant 0 : index
    %get3A_6 = vector.load %arg0[%get3A_4, %get3A_5] : memref<10112x64xf32, #tpu.memory_space<vmem>>, vector<10000x64xf32>
    %mul3A = vector.broadcast %add3A_3 : f32 to vector<10000x64xf32>
    %mul3A_7 = arith.mulf %mul3A, %get3A_6 : vector<10000x64xf32>
    %get3A_8 = arith.constant 0 : index
    %get3A_9 = arith.constant 0 : index
    %get3A_10 = vector.load %arg1[%get3A_8, %get3A_9] : memref<10112x64xf32, #tpu.memory_space<vmem>>, vector<10000x64xf32>
    %add3A_11 = arith.addf %mul3A_7, %get3A_10 : vector<10000x64xf32>
    %get3A_12 = arith.constant 0 : index
    %get3A_13 = arith.constant 0 : index
    %get3A_14 = vector.load %arg2[%get3A_12, %get3A_13] : memref<10112x64xf32, #tpu.memory_space<vmem>>, vector<10000x64xf32>
    %add3A_15 = arith.addf %add3A_11, %get3A_14 : vector<10000x64xf32>
    %get3A_16 = arith.constant 0 : index
    %get3A_17 = arith.constant 0 : index
    %get3A_18 = vector.load %arg5[%get3A_16, %get3A_17] : memref<64x64xf32, #tpu.memory_space<vmem>>, vector<64x64xf32>
    %dot_general3A = arith.constant dense<0.000000e+00> : vector<10000x64xf32>
    %dot_general3A_19 = tpu.matmul %add3A_15, %get3A_18, %dot_general3A {dimension_numbers = #tpu.dot_dimension_numbers<[1], [0], [0], [1], [0, 0, 1, 1], [], []>, transpose_lhs_hint = false} : vector<10000x64xf32>, vector<64x64xf32>, vector<10000x64xf32> -> vector<10000x64xf32>
    %get3A_20 = arith.constant 0 : index
    %get3A_21 = arith.constant 0 : index
    %get3A_22 = vector.load %arg6[%get3A_20, %get3A_21] : memref<1x64xf32, #tpu.memory_space<vmem>>, vector<1x64xf32>
    %add3A_23 = vector.broadcast %get3A_22 : vector<1x64xf32> to vector<10000x64xf32>
    %add3A_24 = arith.addf %dot_general3A_19, %add3A_23 : vector<10000x64xf32>
    %get3A_25 = arith.constant 0 : index
    %get3A_26 = arith.constant 0 : index
    %get3A_27 = vector.load %arg7[%get3A_25, %get3A_26] : memref<1x64xf32, #tpu.memory_space<vmem>>, vector<1x64xf32>
    %get3A_28 = arith.constant 0 : index
    %get3A_29 = arith.constant 0 : index
    %get3A_30 = vector.load %arg8[%get3A_28, %get3A_29] : memref<1x64xf32, #tpu.memory_space<vmem>>, vector<1x64xf32>
    %reduce_sum3A = arith.constant dense<0.000000e+00> : vector<64xf32>
    %reduce_sum3A_31 = vector.multi_reduction <add>, %add3A_24, %reduce_sum3A [0] : vector<10000x64xf32> to vector<64xf32>
    %broadcast_in_dim3A = vector.shape_cast %reduce_sum3A_31 : vector<64xf32> to vector<1x64xf32>
    %div3A = arith.constant 1.000000e+04 : f32
    %div3A_32 = vector.broadcast %div3A : f32 to vector<1x64xf32>
    %div3A_33 = arith.divf %broadcast_in_dim3A, %div3A_32 : vector<1x64xf32>
    %sub3A = vector.broadcast %div3A_33 : vector<1x64xf32> to vector<10000x64xf32>
    %sub3A_34 = arith.subf %add3A_24, %sub3A : vector<10000x64xf32>
    %sub3A_35 = vector.broadcast %div3A_33 : vector<1x64xf32> to vector<10000x64xf32>
    %sub3A_36 = arith.subf %add3A_24, %sub3A_35 : vector<10000x64xf32>
    %mul3A_37 = arith.mulf %sub3A_34, %sub3A_36 : vector<10000x64xf32>
    %reduce_sum3A_38 = arith.constant dense<0.000000e+00> : vector<64xf32>
    %reduce_sum3A_39 = vector.multi_reduction <add>, %mul3A_37, %reduce_sum3A_38 [0] : vector<10000x64xf32> to vector<64xf32>
    %broadcast_in_dim3A_40 = vector.shape_cast %reduce_sum3A_39 : vector<64xf32> to vector<1x64xf32>
    %div3A_41 = arith.constant 1.000000e+04 : f32
    %div3A_42 = vector.broadcast %div3A_41 : f32 to vector<1x64xf32>
    %div3A_43 = arith.divf %broadcast_in_dim3A_40, %div3A_42 : vector<1x64xf32>
    %sub3A_44 = vector.broadcast %div3A_33 : vector<1x64xf32> to vector<10000x64xf32>
    %sub3A_45 = arith.subf %add3A_24, %sub3A_44 : vector<10000x64xf32>
    %add3A_46 = arith.constant 9.99999974E-6 : f32
    %add3A_47 = vector.broadcast %add3A_46 : f32 to vector<1x64xf32>
    %add3A_48 = arith.addf %div3A_43, %add3A_47 : vector<1x64xf32>
    %sqrt3A = math.sqrt %add3A_48 : vector<1x64xf32>
    %div3A_49 = vector.broadcast %sqrt3A : vector<1x64xf32> to vector<10000x64xf32>
    %div3A_50 = arith.divf %sub3A_45, %div3A_49 : vector<10000x64xf32>
    %mul3A_51 = vector.broadcast %get3A_27 : vector<1x64xf32> to vector<10000x64xf32>
    %mul3A_52 = arith.mulf %div3A_50, %mul3A_51 : vector<10000x64xf32>
    %add3A_53 = vector.broadcast %get3A_30 : vector<1x64xf32> to vector<10000x64xf32>
    %add3A_54 = arith.addf %mul3A_52, %add3A_53 : vector<10000x64xf32>
    %max3A = arith.constant 0.000000e+00 : f32
    %max3A_55 = vector.broadcast %max3A : f32 to vector<10000x64xf32>
    %max3A_56 = arith.maximumf %add3A_54, %max3A_55 : vector<10000x64xf32>
    %get3A_57 = arith.constant 0 : index
    %get3A_58 = arith.constant 0 : index
    %get3A_59 = vector.load %arg9[%get3A_57, %get3A_58] : memref<64x64xf32, #tpu.memory_space<vmem>>, vector<64x64xf32>
    %dot_general3A_60 = arith.constant dense<0.000000e+00> : vector<10000x64xf32>
    %dot_general3A_61 = tpu.matmul %max3A_56, %get3A_59, %dot_general3A_60 {dimension_numbers = #tpu.dot_dimension_numbers<[1], [0], [0], [1], [0, 0, 1, 1], [], []>, transpose_lhs_hint = false} : vector<10000x64xf32>, vector<64x64xf32>, vector<10000x64xf32> -> vector<10000x64xf32>
    %get3A_62 = arith.constant 0 : index
    %get3A_63 = arith.constant 0 : index
    %get3A_64 = vector.load %arg10[%get3A_62, %get3A_63] : memref<1x64xf32, #tpu.memory_space<vmem>>, vector<1x64xf32>
    %add3A_65 = vector.broadcast %get3A_64 : vector<1x64xf32> to vector<10000x64xf32>
    %add3A_66 = arith.addf %dot_general3A_61, %add3A_65 : vector<10000x64xf32>
    %get3A_67 = arith.constant 0 : index
    %get3A_68 = arith.constant 0 : index
    %get3A_69 = vector.load %arg11[%get3A_67, %get3A_68] : memref<1x64xf32, #tpu.memory_space<vmem>>, vector<1x64xf32>
    %get3A_70 = arith.constant 0 : index
    %get3A_71 = arith.constant 0 : index
    %get3A_72 = vector.load %arg12[%get3A_70, %get3A_71] : memref<1x64xf32, #tpu.memory_space<vmem>>, vector<1x64xf32>
    %reduce_sum3A_73 = arith.constant dense<0.000000e+00> : vector<64xf32>
    %reduce_sum3A_74 = vector.multi_reduction <add>, %add3A_66, %reduce_sum3A_73 [0] : vector<10000x64xf32> to vector<64xf32>
    %broadcast_in_dim3A_75 = vector.shape_cast %reduce_sum3A_74 : vector<64xf32> to vector<1x64xf32>
    %div3A_76 = arith.constant 1.000000e+04 : f32
    %div3A_77 = vector.broadcast %div3A_76 : f32 to vector<1x64xf32>
    %div3A_78 = arith.divf %broadcast_in_dim3A_75, %div3A_77 : vector<1x64xf32>
    %sub3A_79 = vector.broadcast %div3A_78 : vector<1x64xf32> to vector<10000x64xf32>
    %sub3A_80 = arith.subf %add3A_66, %sub3A_79 : vector<10000x64xf32>
    %sub3A_81 = vector.broadcast %div3A_78 : vector<1x64xf32> to vector<10000x64xf32>
    %sub3A_82 = arith.subf %add3A_66, %sub3A_81 : vector<10000x64xf32>
    %mul3A_83 = arith.mulf %sub3A_80, %sub3A_82 : vector<10000x64xf32>
    %reduce_sum3A_84 = arith.constant dense<0.000000e+00> : vector<64xf32>
    %reduce_sum3A_85 = vector.multi_reduction <add>, %mul3A_83, %reduce_sum3A_84 [0] : vector<10000x64xf32> to vector<64xf32>
    %broadcast_in_dim3A_86 = vector.shape_cast %reduce_sum3A_85 : vector<64xf32> to vector<1x64xf32>
    %div3A_87 = arith.constant 1.000000e+04 : f32
    %div3A_88 = vector.broadcast %div3A_87 : f32 to vector<1x64xf32>
    %div3A_89 = arith.divf %broadcast_in_dim3A_86, %div3A_88 : vector<1x64xf32>
    %sub3A_90 = vector.broadcast %div3A_78 : vector<1x64xf32> to vector<10000x64xf32>
    %sub3A_91 = arith.subf %add3A_66, %sub3A_90 : vector<10000x64xf32>
    %add3A_92 = arith.constant 9.99999974E-6 : f32
    %add3A_93 = vector.broadcast %add3A_92 : f32 to vector<1x64xf32>
    %add3A_94 = arith.addf %div3A_89, %add3A_93 : vector<1x64xf32>
    %sqrt3A_95 = math.sqrt %add3A_94 : vector<1x64xf32>
    %div3A_96 = vector.broadcast %sqrt3A_95 : vector<1x64xf32> to vector<10000x64xf32>
    %div3A_97 = arith.divf %sub3A_91, %div3A_96 : vector<10000x64xf32>
    %mul3A_98 = vector.broadcast %get3A_69 : vector<1x64xf32> to vector<10000x64xf32>
    %mul3A_99 = arith.mulf %div3A_97, %mul3A_98 : vector<10000x64xf32>
    %add3A_100 = vector.broadcast %get3A_72 : vector<1x64xf32> to vector<10000x64xf32>
    %add3A_101 = arith.addf %mul3A_99, %add3A_100 : vector<10000x64xf32>
    %max3A_102 = arith.constant 0.000000e+00 : f32
    %max3A_103 = vector.broadcast %max3A_102 : f32 to vector<10000x64xf32>
    %max3A_104 = arith.maximumf %add3A_101, %max3A_103 : vector<10000x64xf32>
    %swap3A = arith.constant 0 : index
    %swap3A_105 = arith.constant 0 : index
    %swap3A_106 = vector.load %arg16[%swap3A, %swap3A_105] : memref<10112x64xf32, #tpu.memory_space<vmem>>, vector<10000x64xf32>
    tpu.vector_store %arg16[%swap3A, %swap3A_105], %max3A_104 {strides = array<i32>} : memref<10112x64xf32, #tpu.memory_space<vmem>>, vector<10000x64xf32>,
    %broadcast_in_dim3A_107 = arith.constant 0.000000e+00 : f32
    %broadcast_in_dim3A_108 = vector.broadcast %broadcast_in_dim3A_107 : f32 to vector<112x64xf32>
    %swap3A_109 = arith.constant 10000 : index
    %swap3A_110 = arith.constant 0 : index
    %swap3A_111 = vector.load %arg16[%swap3A_109, %swap3A_110] : memref<10112x64xf32, #tpu.memory_space<vmem>>, vector<112x64xf32>
    tpu.vector_store %arg16[%swap3A_109, %swap3A_110], %broadcast_in_dim3A_108 {strides = array<i32>} : memref<10112x64xf32, #tpu.memory_space<vmem>>, vector<112x64xf32>,
    %iota3A = tpu.iota {dimensions = array<i32: 0>} : vector<128x10000xi32>
    %get3A_112 = arith.constant 0 : index
    %get3A_113 = arith.constant 0 : index
    %get3A_114 = vector.load %arg4[%get3A_112, %get3A_113] : memref<1x10000xi32, #tpu.memory_space<vmem>>, vector<1x10000xi32>
    %eq3A = vector.broadcast %get3A_114 : vector<1x10000xi32> to vector<128x10000xi32>
    %eq3A_115 = arith.cmpi eq, %iota3A, %eq3A : vector<128x10000xi32>
    %convert_element_type3A = arith.extui %eq3A_115 : vector<128x10000xi1> to vector<128x10000xi32>
    %convert_element_type3A_116 = arith.sitofp %convert_element_type3A : vector<128x10000xi32> to vector<128x10000xf32>
    %dot_general3A_117 = arith.constant dense<0.000000e+00> : vector<128x64xf32>
    %dot_general3A_118 = tpu.matmul %convert_element_type3A_116, %max3A_104, %dot_general3A_117 {dimension_numbers = #tpu.dot_dimension_numbers<[1], [0], [0], [1], [0, 0, 1, 1], [], []>, transpose_lhs_hint = false} : vector<128x10000xf32>, vector<10000x64xf32>, vector<128x64xf32> -> vector<128x64xf32>
    %get3A_119 = arith.constant 0 : index
    %get3A_120 = arith.constant 0 : index
    %get3A_121 = vector.load %arg14[%get3A_119, %get3A_120] : memref<1x8xf32, #tpu.memory_space<vmem>>, vector<1x8xf32>
    %get3A_122 = arith.constant 0 : index
    %get3A_123 = arith.constant 0 : index
    %get3A_124 = vector.load %arg15[%get3A_122, %get3A_123] : memref<128x8xf32, #tpu.memory_space<vmem>>, vector<128x8xf32>
    %get3A_125 = arith.constant 0 : index
    %get3A_126 = arith.constant 0 : index
    %get3A_127 = vector.load %arg13[%get3A_125, %get3A_126] : memref<64x8xf32, #tpu.memory_space<vmem>>, vector<64x8xf32>
    %dot_general3A_128 = arith.constant dense<0.000000e+00> : vector<128x8xf32>
    %dot_general3A_129 = tpu.matmul %dot_general3A_118, %get3A_127, %dot_general3A_128 {dimension_numbers = #tpu.dot_dimension_numbers<[1], [0], [0], [1], [0, 0, 1, 1], [], []>, transpose_lhs_hint = false} : vector<128x64xf32>, vector<64x8xf32>, vector<128x8xf32> -> vector<128x8xf32>
    %add3A_130 = arith.addf %get3A_124, %dot_general3A_129 : vector<128x8xf32>
    %add3A_131 = vector.broadcast %get3A_121 : vector<1x8xf32> to vector<128x8xf32>
    %add3A_132 = arith.addf %add3A_130, %add3A_131 : vector<128x8xf32>
    %swap3A_133 = arith.constant 0 : index
    %swap3A_134 = arith.constant 0 : index
    %swap3A_135 = vector.load %arg17[%swap3A_133, %swap3A_134] : memref<128x8xf32, #tpu.memory_space<vmem>>, vector<128x8xf32>
    tpu.vector_store %arg17[%swap3A_133, %swap3A_134], %add3A_132 {strides = array<i32>} : memref<128x8xf32, #tpu.memory_space<vmem>>, vector<128x8xf32>,
    return
  }
}

module attributes {stable_mosaic.version = 14 : i64} {
  func.func @_mlp_pool_body(%arg0: memref<10112x64xf32, #tpu.memory_space<vmem>>, %arg1: memref<10112x64xf32, #tpu.memory_space<vmem>>, %arg2: memref<10112x64xf32, #tpu.memory_space<vmem>>, %arg3: memref<1x1xf32, #tpu.memory_space<vmem>>, %arg4: memref<1x10000xi32, #tpu.memory_space<vmem>>, %arg5: memref<64x64xf32, #tpu.memory_space<vmem>>, %arg6: memref<1x64xf32, #tpu.memory_space<vmem>>, %arg7: memref<1x64xf32, #tpu.memory_space<vmem>>, %arg8: memref<1x64xf32, #tpu.memory_space<vmem>>, %arg9: memref<64x64xf32, #tpu.memory_space<vmem>>, %arg10: memref<1x64xf32, #tpu.memory_space<vmem>>, %arg11: memref<1x64xf32, #tpu.memory_space<vmem>>, %arg12: memref<1x64xf32, #tpu.memory_space<vmem>>, %arg13: memref<64x8xf32, #tpu.memory_space<vmem>>, %arg14: memref<1x8xf32, #tpu.memory_space<vmem>>, %arg15: memref<128x8xf32, #tpu.memory_space<vmem>>, %arg16: memref<10112x64xf32, #tpu.memory_space<vmem>>, %arg17: memref<128x8xf32, #tpu.memory_space<vmem>>) attributes {dimension_semantics = [], scalar_prefetch = 0 : i64, scratch_operands = 0 : i64, tpu.core_type = #tpu.core_type<tc>} {
    %get3A = arith.constant 0 : index
    %get3A_0 = arith.constant 0 : index
    %get3A_1 = vector.load %arg3[%get3A, %get3A_0] : memref<1x1xf32, #tpu.memory_space<vmem>>, vector<1x1xf32>
    %get3A_2 = vector.extract %get3A_1[0, 0] : f32 from vector<1x1xf32>
    %add3A = arith.constant 1.000000e+00 : f32
    %add3A_3 = arith.addf %add3A, %get3A_2 : f32
    %get3A_4 = arith.constant 0 : index
    %get3A_5 = arith.constant 0 : index
    %get3A_6 = vector.load %arg0[%get3A_4, %get3A_5] : memref<10112x64xf32, #tpu.memory_space<vmem>>, vector<10000x64xf32>
    %mul3A = vector.broadcast %add3A_3 : f32 to vector<10000x64xf32>
    %mul3A_7 = arith.mulf %mul3A, %get3A_6 : vector<10000x64xf32>
    %get3A_8 = arith.constant 0 : index
    %get3A_9 = arith.constant 0 : index
    %get3A_10 = vector.load %arg1[%get3A_8, %get3A_9] : memref<10112x64xf32, #tpu.memory_space<vmem>>, vector<10000x64xf32>
    %add3A_11 = arith.addf %mul3A_7, %get3A_10 : vector<10000x64xf32>
    %get3A_12 = arith.constant 0 : index
    %get3A_13 = arith.constant 0 : index
    %get3A_14 = vector.load %arg2[%get3A_12, %get3A_13] : memref<10112x64xf32, #tpu.memory_space<vmem>>, vector<10000x64xf32>
    %add3A_15 = arith.addf %add3A_11, %get3A_14 : vector<10000x64xf32>
    %get3A_16 = arith.constant 0 : index
    %get3A_17 = arith.constant 0 : index
    %get3A_18 = vector.load %arg5[%get3A_16, %get3A_17] : memref<64x64xf32, #tpu.memory_space<vmem>>, vector<64x64xf32>
    %dot_general3A = arith.constant dense<0.000000e+00> : vector<10000x64xf32>
    %dot_general3A_19 = tpu.matmul %add3A_15, %get3A_18, %dot_general3A {dimension_numbers = #tpu.dot_dimension_numbers<[1], [0], [0], [1], [0, 0, 1, 1], [], []>, transpose_lhs_hint = false} : vector<10000x64xf32>, vector<64x64xf32>, vector<10000x64xf32> -> vector<10000x64xf32>
    %get3A_20 = arith.constant 0 : index
    %get3A_21 = arith.constant 0 : index
    %get3A_22 = vector.load %arg6[%get3A_20, %get3A_21] : memref<1x64xf32, #tpu.memory_space<vmem>>, vector<1x64xf32>
    %add3A_23 = vector.broadcast %get3A_22 : vector<1x64xf32> to vector<10000x64xf32>
    %add3A_24 = arith.addf %dot_general3A_19, %add3A_23 : vector<10000x64xf32>
    %get3A_25 = arith.constant 0 : index
    %get3A_26 = arith.constant 0 : index
    %get3A_27 = vector.load %arg7[%get3A_25, %get3A_26] : memref<1x64xf32, #tpu.memory_space<vmem>>, vector<1x64xf32>
    %get3A_28 = arith.constant 0 : index
    %get3A_29 = arith.constant 0 : index
    %get3A_30 = vector.load %arg8[%get3A_28, %get3A_29] : memref<1x64xf32, #tpu.memory_space<vmem>>, vector<1x64xf32>
    %reduce_sum3A = arith.constant dense<0.000000e+00> : vector<64xf32>
    %reduce_sum3A_31 = vector.multi_reduction <add>, %add3A_24, %reduce_sum3A [0] : vector<10000x64xf32> to vector<64xf32>
    %broadcast_in_dim3A = vector.shape_cast %reduce_sum3A_31 : vector<64xf32> to vector<1x64xf32>
    %div3A = arith.constant 1.000000e+04 : f32
    %div3A_32 = vector.broadcast %div3A : f32 to vector<1x64xf32>
    %div3A_33 = arith.divf %broadcast_in_dim3A, %div3A_32 : vector<1x64xf32>
    %sub3A = vector.broadcast %div3A_33 : vector<1x64xf32> to vector<10000x64xf32>
    %sub3A_34 = arith.subf %add3A_24, %sub3A : vector<10000x64xf32>
    %sub3A_35 = vector.broadcast %div3A_33 : vector<1x64xf32> to vector<10000x64xf32>
    %sub3A_36 = arith.subf %add3A_24, %sub3A_35 : vector<10000x64xf32>
    %mul3A_37 = arith.mulf %sub3A_34, %sub3A_36 : vector<10000x64xf32>
    %reduce_sum3A_38 = arith.constant dense<0.000000e+00> : vector<64xf32>
    %reduce_sum3A_39 = vector.multi_reduction <add>, %mul3A_37, %reduce_sum3A_38 [0] : vector<10000x64xf32> to vector<64xf32>
    %broadcast_in_dim3A_40 = vector.shape_cast %reduce_sum3A_39 : vector<64xf32> to vector<1x64xf32>
    %div3A_41 = arith.constant 1.000000e+04 : f32
    %div3A_42 = vector.broadcast %div3A_41 : f32 to vector<1x64xf32>
    %div3A_43 = arith.divf %broadcast_in_dim3A_40, %div3A_42 : vector<1x64xf32>
    %sub3A_44 = vector.broadcast %div3A_33 : vector<1x64xf32> to vector<10000x64xf32>
    %sub3A_45 = arith.subf %add3A_24, %sub3A_44 : vector<10000x64xf32>
    %add3A_46 = arith.constant 9.99999974E-6 : f32
    %add3A_47 = vector.broadcast %add3A_46 : f32 to vector<1x64xf32>
    %add3A_48 = arith.addf %div3A_43, %add3A_47 : vector<1x64xf32>
    %sqrt3A = math.sqrt %add3A_48 : vector<1x64xf32>
    %div3A_49 = vector.broadcast %sqrt3A : vector<1x64xf32> to vector<10000x64xf32>
    %div3A_50 = arith.divf %sub3A_45, %div3A_49 : vector<10000x64xf32>
    %mul3A_51 = vector.broadcast %get3A_27 : vector<1x64xf32> to vector<10000x64xf32>
    %mul3A_52 = arith.mulf %div3A_50, %mul3A_51 : vector<10000x64xf32>
    %add3A_53 = vector.broadcast %get3A_30 : vector<1x64xf32> to vector<10000x64xf32>
    %add3A_54 = arith.addf %mul3A_52, %add3A_53 : vector<10000x64xf32>
    %max3A = arith.constant 0.000000e+00 : f32
    %max3A_55 = vector.broadcast %max3A : f32 to vector<10000x64xf32>
    %max3A_56 = arith.maximumf %add3A_54, %max3A_55 : vector<10000x64xf32>
    %get3A_57 = arith.constant 0 : index
    %get3A_58 = arith.constant 0 : index
    %get3A_59 = vector.load %arg9[%get3A_57, %get3A_58] : memref<64x64xf32, #tpu.memory_space<vmem>>, vector<64x64xf32>
    %dot_general3A_60 = arith.constant dense<0.000000e+00> : vector<10000x64xf32>
    %dot_general3A_61 = tpu.matmul %max3A_56, %get3A_59, %dot_general3A_60 {dimension_numbers = #tpu.dot_dimension_numbers<[1], [0], [0], [1], [0, 0, 1, 1], [], []>, transpose_lhs_hint = false} : vector<10000x64xf32>, vector<64x64xf32>, vector<10000x64xf32> -> vector<10000x64xf32>
    %get3A_62 = arith.constant 0 : index
    %get3A_63 = arith.constant 0 : index
    %get3A_64 = vector.load %arg10[%get3A_62, %get3A_63] : memref<1x64xf32, #tpu.memory_space<vmem>>, vector<1x64xf32>
    %add3A_65 = vector.broadcast %get3A_64 : vector<1x64xf32> to vector<10000x64xf32>
    %add3A_66 = arith.addf %dot_general3A_61, %add3A_65 : vector<10000x64xf32>
    %get3A_67 = arith.constant 0 : index
    %get3A_68 = arith.constant 0 : index
    %get3A_69 = vector.load %arg11[%get3A_67, %get3A_68] : memref<1x64xf32, #tpu.memory_space<vmem>>, vector<1x64xf32>
    %get3A_70 = arith.constant 0 : index
    %get3A_71 = arith.constant 0 : index
    %get3A_72 = vector.load %arg12[%get3A_70, %get3A_71] : memref<1x64xf32, #tpu.memory_space<vmem>>, vector<1x64xf32>
    %reduce_sum3A_73 = arith.constant dense<0.000000e+00> : vector<64xf32>
    %reduce_sum3A_74 = vector.multi_reduction <add>, %add3A_66, %reduce_sum3A_73 [0] : vector<10000x64xf32> to vector<64xf32>
    %broadcast_in_dim3A_75 = vector.shape_cast %reduce_sum3A_74 : vector<64xf32> to vector<1x64xf32>
    %div3A_76 = arith.constant 1.000000e+04 : f32
    %div3A_77 = vector.broadcast %div3A_76 : f32 to vector<1x64xf32>
    %div3A_78 = arith.divf %broadcast_in_dim3A_75, %div3A_77 : vector<1x64xf32>
    %sub3A_79 = vector.broadcast %div3A_78 : vector<1x64xf32> to vector<10000x64xf32>
    %sub3A_80 = arith.subf %add3A_66, %sub3A_79 : vector<10000x64xf32>
    %sub3A_81 = vector.broadcast %div3A_78 : vector<1x64xf32> to vector<10000x64xf32>
    %sub3A_82 = arith.subf %add3A_66, %sub3A_81 : vector<10000x64xf32>
    %mul3A_83 = arith.mulf %sub3A_80, %sub3A_82 : vector<10000x64xf32>
    %reduce_sum3A_84 = arith.constant dense<0.000000e+00> : vector<64xf32>
    %reduce_sum3A_85 = vector.multi_reduction <add>, %mul3A_83, %reduce_sum3A_84 [0] : vector<10000x64xf32> to vector<64xf32>
    %broadcast_in_dim3A_86 = vector.shape_cast %reduce_sum3A_85 : vector<64xf32> to vector<1x64xf32>
    %div3A_87 = arith.constant 1.000000e+04 : f32
    %div3A_88 = vector.broadcast %div3A_87 : f32 to vector<1x64xf32>
    %div3A_89 = arith.divf %broadcast_in_dim3A_86, %div3A_88 : vector<1x64xf32>
    %sub3A_90 = vector.broadcast %div3A_78 : vector<1x64xf32> to vector<10000x64xf32>
    %sub3A_91 = arith.subf %add3A_66, %sub3A_90 : vector<10000x64xf32>
    %add3A_92 = arith.constant 9.99999974E-6 : f32
    %add3A_93 = vector.broadcast %add3A_92 : f32 to vector<1x64xf32>
    %add3A_94 = arith.addf %div3A_89, %add3A_93 : vector<1x64xf32>
    %sqrt3A_95 = math.sqrt %add3A_94 : vector<1x64xf32>
    %div3A_96 = vector.broadcast %sqrt3A_95 : vector<1x64xf32> to vector<10000x64xf32>
    %div3A_97 = arith.divf %sub3A_91, %div3A_96 : vector<10000x64xf32>
    %mul3A_98 = vector.broadcast %get3A_69 : vector<1x64xf32> to vector<10000x64xf32>
    %mul3A_99 = arith.mulf %div3A_97, %mul3A_98 : vector<10000x64xf32>
    %add3A_100 = vector.broadcast %get3A_72 : vector<1x64xf32> to vector<10000x64xf32>
    %add3A_101 = arith.addf %mul3A_99, %add3A_100 : vector<10000x64xf32>
    %max3A_102 = arith.constant 0.000000e+00 : f32
    %max3A_103 = vector.broadcast %max3A_102 : f32 to vector<10000x64xf32>
    %max3A_104 = arith.maximumf %add3A_101, %max3A_103 : vector<10000x64xf32>
    %swap3A = arith.constant 0 : index
    %swap3A_105 = arith.constant 0 : index
    %swap3A_106 = vector.load %arg16[%swap3A, %swap3A_105] : memref<10112x64xf32, #tpu.memory_space<vmem>>, vector<10000x64xf32>
    tpu.vector_store %arg16[%swap3A, %swap3A_105], %max3A_104 {strides = array<i32>} : memref<10112x64xf32, #tpu.memory_space<vmem>>, vector<10000x64xf32>,
    %broadcast_in_dim3A_107 = arith.constant 0.000000e+00 : f32
    %broadcast_in_dim3A_108 = vector.broadcast %broadcast_in_dim3A_107 : f32 to vector<112x64xf32>
    %swap3A_109 = arith.constant 10000 : index
    %swap3A_110 = arith.constant 0 : index
    %swap3A_111 = vector.load %arg16[%swap3A_109, %swap3A_110] : memref<10112x64xf32, #tpu.memory_space<vmem>>, vector<112x64xf32>
    tpu.vector_store %arg16[%swap3A_109, %swap3A_110], %broadcast_in_dim3A_108 {strides = array<i32>} : memref<10112x64xf32, #tpu.memory_space<vmem>>, vector<112x64xf32>,
    %iota3A = tpu.iota {dimensions = array<i32: 0>} : vector<128x10000xi32>
    %get3A_112 = arith.constant 0 : index
    %get3A_113 = arith.constant 0 : index
    %get3A_114 = vector.load %arg4[%get3A_112, %get3A_113] : memref<1x10000xi32, #tpu.memory_space<vmem>>, vector<1x10000xi32>
    %eq3A = vector.broadcast %get3A_114 : vector<1x10000xi32> to vector<128x10000xi32>
    %eq3A_115 = arith.cmpi eq, %iota3A, %eq3A : vector<128x10000xi32>
    %convert_element_type3A = arith.extui %eq3A_115 : vector<128x10000xi1> to vector<128x10000xi32>
    %convert_element_type3A_116 = arith.sitofp %convert_element_type3A : vector<128x10000xi32> to vector<128x10000xf32>
    %dot_general3A_117 = arith.constant dense<0.000000e+00> : vector<128x64xf32>
    %dot_general3A_118 = tpu.matmul %convert_element_type3A_116, %max3A_104, %dot_general3A_117 {dimension_numbers = #tpu.dot_dimension_numbers<[1], [0], [0], [1], [0, 0, 1, 1], [], []>, transpose_lhs_hint = false} : vector<128x10000xf32>, vector<10000x64xf32>, vector<128x64xf32> -> vector<128x64xf32>
    %get3A_119 = arith.constant 0 : index
    %get3A_120 = arith.constant 0 : index
    %get3A_121 = vector.load %arg14[%get3A_119, %get3A_120] : memref<1x8xf32, #tpu.memory_space<vmem>>, vector<1x8xf32>
    %get3A_122 = arith.constant 0 : index
    %get3A_123 = arith.constant 0 : index
    %get3A_124 = vector.load %arg15[%get3A_122, %get3A_123] : memref<128x8xf32, #tpu.memory_space<vmem>>, vector<128x8xf32>
    %get3A_125 = arith.constant 0 : index
    %get3A_126 = arith.constant 0 : index
    %get3A_127 = vector.load %arg13[%get3A_125, %get3A_126] : memref<64x8xf32, #tpu.memory_space<vmem>>, vector<64x8xf32>
    %dot_general3A_128 = arith.constant dense<0.000000e+00> : vector<128x8xf32>
    %dot_general3A_129 = tpu.matmul %dot_general3A_118, %get3A_127, %dot_general3A_128 {dimension_numbers = #tpu.dot_dimension_numbers<[1], [0], [0], [1], [0, 0, 1, 1], [], []>, transpose_lhs_hint = false} : vector<128x64xf32>, vector<64x8xf32>, vector<128x8xf32> -> vector<128x8xf32>
    %add3A_130 = arith.addf %get3A_124, %dot_general3A_129 : vector<128x8xf32>
    %add3A_131 = vector.broadcast %get3A_121 : vector<1x8xf32> to vector<128x8xf32>
    %add3A_132 = arith.addf %add3A_130, %add3A_131 : vector<128x8xf32>
    %swap3A_133 = arith.constant 0 : index
    %swap3A_134 = arith.constant 0 : index
    %swap3A_135 = vector.load %arg17[%swap3A_133, %swap3A_134] : memref<128x8xf32, #tpu.memory_space<vmem>>, vector<128x8xf32>
    tpu.vector_store %arg17[%swap3A_133, %swap3A_134], %add3A_132 {strides = array<i32>} : memref<128x8xf32, #tpu.memory_space<vmem>>, vector<128x8xf32>,
    return
  }
}

</mosaic_0001>

<sc_bundles>
// kernel: kernel.10.cloned.1.call-start
scs
__scs_entry_jumppad:
0x0: {  	(pc) =	sbr.rel $0x88, $3  }
0x1: {  	(tag) =	ssettag $0x0;
	lr =	simm.s32 $0x1  }
0x2: {  	[smem:$0x3F7E] =	sst lr;
	_ =	strace $0xD0000000  }
0x3: {  	_ = 	snop  }
0x4: {  	_ = 	snop  }
0x5: {  	_ = 	snop  }
0x6: {  	_ = 	snop  }
0x7: {  	_ = 	snop  }
__scs_overlays_trampoline_lowered:
0x8: {  	[smem:$0x3F8D] =	sst s0  }
0x9: {  	[smem:$0x3F8E] =	sst s1  }
0xa: {  	[smem:$0x3F8F] =	sst s2  }
0xb: {  	[smem:$0x3F90] =	sst s3  }
0xc: {  	[smem:$0x3F91] =	sst s4  }
0xd: {  	[smem:$0x3F92] =	sst s5  }
0xe: {  	[smem:$0x3F93] =	sst s6  }
0xf: {  	[smem:$0x3F94] =	sst s7  }
0x10: {  	[smem:$0x3F95] =	sst s8  }
0x11: {  	[smem:$0x3F96] =	sst s9;
	s0 =	simm.s32 @!p0 $0x0  }
0x12: {  	s1 =	sld [smem:$0x3F7C];
	s0 =	simm.s32 @p0 $0x1  }
0x13: {  	[smem:$0x3F97] =	sst s0;
	s0 =	simm.s32 @!p1 $0x0  }
0x14: {  	s2 =	sld [smem:$0x3F7B];
	s0 =	simm.s32 @p1 $0x1  }
0x15: {  	[smem:$0x3F98] =	sst s0;
	s0 =	simm.s32 @!p2 $0x0  }
0x16: {  	s3 =	sld [smem:$0x3FDB];
	s0 =	simm.s32 @p2 $0x1  }
0x17: {  	s4 =	simm.s32 $0x1BF5;
	[smem:$0x3F9A] =	sst s0  }
0x18: {  	s0 =	sld [smem:$0x3F7D];
	_ =	swait.ge [sflag:s4], $0x0  }
0x19: {  	s7 =	sld [smem:$0x3F7E]  }
0x1a: {  	s8 =	sadd.s32 $0xFFFFE003, lr  }
0x1b: {  	s9 =	sadd.s32 $0xFFFFFEF7, lr;
	s5 =	simm.s32 $0xFFFFFFFF;
	p2 =	slt.u32 s8, $0xFFFFF086  }
0x1c: {  	p1 =	slt.u32 s9, $0xF7A;
	s5 =	simm.s32 @!p2 $0x0  }
0x1d: {  	s5 =	simm.s32 @p1 $0x1;
	p0 =	seq.s32 s7, s2  }
0x1e: {  	s7 =	smul.u32 @!p0 $0xF7A, s2;
	p2 =	seq.s32 @!p0 s5, $0x0  }
0x1f: {  	s9 =	smul.u32 $0xF7A, s1;
	s8 =	simm.s32 @!p0 $0x1BF5;
	p2 =	por !p2, p0  }
0x20: {  	[sflag:s8] =	ssyncset.s32 @!p0 $0xFFFFF086;
	s6 =	sadd.s32 @!p0 s3, s7;
	s7 =	simm.s32 @!p0 $0x108  }
0x21: {  	s3 =	sadd.s32 s3, s9;
	s6 =	sadd.s32 @!p0 $0x88, s6;
	s7 =	simm.s32 @p2 $0x1082  }
0x22: {  	[simem:s7], [sflag:s8] =	dma.local @!p0 [hbm:s6], $0xF7A  }
0x23: {  	s9 =	sor.u32 $0xD0000000, s2;
	s6 =	simm.s32 $0x108;
	_ =	swait.ge @!p0 [sflag:s8], $0x0  }
0x24: {  	s3 =	sadd.s32 $0x88, s3;
	s6 =	simm.s32 @!p1 $0x1082;
	[sflag:s4] =	ssyncset.s32 $0xFFFFF086  }
0x25: {  	[simem:s6], [sflag:s4] =	dma.local [hbm:s3], $0xF7A  }
0x26: {  	[smem:$0x3F7E] =	sst s1;
	(tag) =	ssettag s2;
	_ =	strace s9  }
0x27: {  	s1 =	sld [smem:$0x3F8E]  }
0x28: {  	s2 =	sld [smem:$0x3F8F]  }
0x29: {  	s4 =	sld [smem:$0x3F91]  }
0x2a: {  	p0 =	seq.s32 s5, $0x0;
	s5 =	sld [smem:$0x3F92]  }
0x2b: {  	s6 =	sld [smem:$0x3F93]  }
0x2c: {  	s7 =	sld [smem:$0x3F94]  }
0x2d: {  	s3 =	simm.s32 $0x108;
	s8 =	sld [smem:$0x3F95]  }
0x2e: {  	s3 =	simm.s32 @!p0 $0x1082;
	s9 =	sld [smem:$0x3F96]  }
0x2f: {  	lr =	sadd.s32 s0, s3;
	s0 =	sld [smem:$0x3F8D]  }
0x30: {  	s3 =	sld [smem:$0x3F90]  }
0x31: {  	[smem:$0x3F99] =	sst s10  }
0x32: {  	s10 =	sld [smem:$0x3F97];
	_ =	sdelay $0x3  }
0x33: {  	p0 =	seq.s32 s10, $0x1;
	s10 =	sld [smem:$0x3F99];
	_ =	sdelay $0x3  }
0x34: {  	[smem:$0x3F99] =	sst s10  }
0x35: {  	s10 =	sld [smem:$0x3F98];
	_ =	sdelay $0x3  }
0x36: {  	p1 =	seq.s32 s10, $0x1;
	s10 =	sld [smem:$0x3F99];
	_ =	sdelay $0x3  }
0x37: {  	[smem:$0x3F99] =	sst s10  }
0x38: {  	s10 =	sld [smem:$0x3F9A]  }
0x39: {  	_ = 	snop;
	(pc) =	sbr.ind lr, $3  }
0x3a: {  	_ = 	snop  }
0x3b: {  	_ = 	snop  }
0x3c: {  	p2 =	seq.s32 s10, $0x1;
	s10 =	sld [smem:$0x3F99]  }
0x3d: {  	_ =	shalt  }
0x3e: {  	_ =	shalt  }
0x3f: {  	_ =	shalt  }
0x40: {  	_ =	shalt  }
0x41: {  	_ =	shalt  }
0x42: {  	_ =	shalt  }
0x43: {  	_ =	shalt  }
0x44: {  	_ =	shalt  }
0x45: {  	_ =	shalt  }
0x46: {  	_ =	shalt  }
0x47: {  	_ =	shalt  }
0x48: {  	_ =	shalt  }
0x49: {  	_ =	shalt  }
0x4a: {  	_ =	shalt  }
0x4b: {  	_ =	shalt  }
0x4c: {  	_ =	shalt  }
0x4d: {  	_ =	shalt  }
0x4e: {  	_ =	shalt  }
0x4f: {  	_ =	shalt  }
0x50: {  	_ =	shalt  }
0x51: {  	_ =	shalt  }
0x52: {  	_ =	shalt  }
0x53: {  	_ =	shalt  }
0x54: {  	_ =	shalt  }
0x55: {  	_ =	shalt  }
0x56: {  	_ =	shalt  }
0x57: {  	_ =	shalt  }
0x58: {  	_ =	shalt  }
0x59: {  	_ =	shalt  }
0x5a: {  	_ =	shalt  }
0x5b: {  	_ =	shalt  }
0x5c: {  	_ =	shalt  }
0x5d: {  	_ =	shalt  }
0x5e: {  	_ =	shalt  }
0x5f: {  	_ =	shalt  }
0x60: {  	_ =	shalt  }
0x61: {  	_ =	shalt  }
0x62: {  	_ =	shalt  }
0x63: {  	_ =	shalt  }
0x64: {  	_ =	shalt  }
0x65: {  	_ =	shalt  }
0x66: {  	_ =	shalt  }
0x67: {  	_ =	shalt  }
0x68: {  	_ =	shalt  }
0x69: {  	_ =	shalt  }
0x6a: {  	_ =	shalt  }
0x6b: {  	_ =	shalt  }
0x6c: {  	_ =	shalt  }
0x6d: {  	_ =	shalt  }
0x6e: {  	_ =	shalt  }
0x6f: {  	_ =	shalt  }
0x70: {  	_ =	shalt  }
0x71: {  	_ =	shalt  }
0x72: {  	_ =	shalt  }
0x73: {  	_ =	shalt  }
0x74: {  	_ =	shalt  }
0x75: {  	_ =	shalt  }
0x76: {  	_ =	shalt  }
0x77: {  	_ =	shalt  }
0x78: {  	_ =	shalt  }
0x79: {  	_ =	shalt  }
0x7a: {  	_ =	shalt  }
0x7b: {  	_ =	shalt  }
0x7c: {  	_ =	shalt  }
0x7d: {  	_ =	shalt  }
0x7e: {  	_ =	shalt  }
0x7f: {  	_ =	shalt  }
0x80: {  	_ =	shalt  }
0x81: {  	_ =	shalt  }
0x82: {  	_ =	shalt  }
0x83: {  	_ =	shalt  }
0x84: {  	_ =	shalt  }
0x85: {  	_ =	shalt  }
0x86: {  	_ =	shalt  }
0x87: {  	_ =	shalt  }
.Lfunc_end0:
.L_simem_size_0:
called_computation.1_lowered:
.L_overlay_start_0:
0x88: {  	s2 =	sld [smem:$0x3FD9]  }
0x89: {  	s3 =	sld [smem:$0x3FFE];
	_ =	sdelay $0x1  }
0x8a: {  	s1 =	srdreg.scid  }
0x8b: {  	s0 =	sand.u32 $0x1, s1  }
0x8c: {  	s16 =	sshll.u32 s0, $0xA;
	s2 =	sadd.s32 s3, s2  }
0x8d: {  	s2 =	sadd.s32 s2, s16  }
0x8e: {  	[smem:$0x3FA5] =	sst s2  }
0x8f: {  	_ = 	snop  }
0x90: {  	(tm) =	ssettm $0x1  }
0x91: {  	s17 =	sld [smem:$0x3FFB];
	_ =	sdelay $0x3  }
0x92: {  	_ =	strace s17  }
0x93: {  	s2 =	sld [smem:$0x3FFC];
	_ =	sdelay $0x3  }
0x94: {  	_ =	strace s2  }
0x95: {  	s2 =	sld [smem:$0x3FFD];
	_ =	sdelay $0x3  }
0x96: {  	_ =	strace s2  }
0x97: {  	_ =	strace $0x8FFFFFFF  }
0x98: {  	s18 =	sld [smem:$0x3FDB];
	_ =	sdelay $0x1  }
0x99: {  	s19 =	simm.s32 $_scs_section_size  }
0x9a: {  	s4 =	simm.s32 $_size__tile_overlayer_lowered;
	s5 =	simm.s32 $_tile_overlayer_lowered  }
0x9b: {  	s22 =	simm.s32 $0x1BFF;
	s21 =	sshll.u32 s5, $0x1;
	s2 =	sadd.s32 s19, s18  }
0x9c: {  	s6 =	simm.s32 $0x0;
	s20 =	sshll.u32 s4, $0x1;
	s4 =	sadd.s32 s21, s2  }
0x9d: {  	[timem:s6], [sflag:s22] =	dma.local [hbm:s4], s20  }
0x9e: {  	_ =	swait.ge [sflag:s22], s20  }
0x9f: {  	s3 =	ssub.s32 $0x0, s20;
	[sflag:s22] =	ssyncset.done $0x0  }
0xa0: {  	[sflag:s22] =	ssyncadd.s32 s3;
	_ =	sdelay $0x1  }
0xa1: {  	s23 =	simm.s32 $0x1B8B  }
0xa2: {  	_ =	swait.ge [sflag:s23], $0x1  }
0xa3: {  	[sflag:s23] =	ssyncset.done $0x0  }
0xa4: {  	s25 =	simm.s32 $0x1B8E;
	s24 =	sld [smem:$0x3FFE];
	[sflag:s23] =	ssyncadd.s32 $0xFFFFFFFF  }
0xa5: {  	s26 =	simm.s32 $execute0_lowered;
	[smem:$0x3FD2] =	sst s25  }
0xa6: {  	s4 =	sshll.u32 s26, $0x1;
	_ =	strace $0x80000049;
	[dreg:$0x1] =	wrdreg $0xFFFFFFFF  }
0xa7: {  	s28 =	simm.s32 $_size_execute0_lowered;
	s2 =	sadd.s32 s2, s4;
	[dreg:$0x0] =	wrdreg $0x0  }
0xa8: {  	s4 =	sshll.u32 s28, $0x1;
	[dreg:$0x2] =	wrdreg s2  }
0xa9: {  	[dreg:$0x3] =	wrdreg s4  }
0xaa: {  	[dreg:$0x4] =	wrdreg $0xC0  }
0xab: {  	_ =	task [dreg:s6], $0x5FFFF  }
0xac: {  	[dreg:$0x1] =	wrdreg $0xFFFFFFFF  }
0xad: {  	[dreg:$0x0] =	wrdreg $0x60  }
0xae: {  	[dreg:$0x2] =	wrdreg s24  }
0xaf: {  	[dreg:$0x3] =	wrdreg $0x159C00  }
0xb0: {  	[dreg:$0x4] =	wrdreg $0xBBC00  }
0xb1: {  	[dreg:$0x5] =	wrdreg $0x9  }
0xb2: {  	_ =	task.clear_ibuf [dreg:s6], $0x6FFFF;
	_ =	strace $0x90000049  }
0xb3: {  	s29 =	simm.s32 $0x9;
	_ =	strace $0x8000004B  }
0xb4: {  	_ =	swait.ge [sflag:s29], $0x1  }
0xb5: {  	[sflag:s29] =	ssyncadd.s32 $0xFFFFFFFF  }
0xb6: {  	_ =	strace $0x9000004B  }
0xb7: {  	_ =	sfence  }
0xb8: {  	s30 =	sld [smem:$0x0];
	_ =	sdelay $0x2  }
0xb9: {  	s31 =	sshll.u32 s1, $0xD;
	s1 =	sshrl.u32 s1, $0x2  }
0xba: {  	s3 =	sand.u32 $0x4000, s31;
	s1 =	sadd.s32 s1, s30  }
0xbb: {  	s0 =	sor.u32 s3, s0;
	s1 =	sshll.u32 s1, $0x11  }
0xbc: {  	s0 =	sor.u32 s1, s0  }
0xbd: {  	s0 =	sadd.s32 $0x8F2B, s0  }
0xbe: {  	[sflag:s0] =	ssyncadd.remote.s32 $0x1  }
0xbf: {  	_ =	sfence.sel $0xFFFF  }
0xc0: {  	[dreg:$0x0] =	wrdreg $0xFFFFFFFF;
	(pc) =	sbr.abs _section_cstart, $3  }
0xc1: {  	[dreg:$0x1] =	wrdreg $0xFFFFFFFF  }
0xc2: {  	_ =	task.clear_ibuf [dreg:s6], $0x2FFFF;
	_ =	strace $0x9FFFFFFF  }
0xc3: {  	(tm) =	ssettm $0x7FFFFFFF  }
tec
execute0_lowered:
.L_overlay_start_1:
0x0: {  	(tag) =	ssettag $0x1  }
0x1: {  	s0 =	rddreg [dreg:$0x0]  }
0x2: {  	s2 =	rddreg [dreg:$0x1]  }
0x3: {  	s3 =	rddreg [dreg:$0x2]  }
0x4: {  	s14 =	stileid.u32;
	s5 =	srdreg.scid;
	s4 =	simm.s32 $0x0  }
0x5: {  	s28 =	simm.s32 $0x2;
	s29 =	simm.s32 $0x1C0;
	s30 =	simm.s32 $0x3  }
0x6: {  	s31 =	simm.s32 $0x0;
	s1 =	smul.u32 $0x9E00, s14;
	s9 =	sand.u32 $0x1, s5  }
0x7: {  	[smem:$0x7FF] =	sst s4;
	s5 =	sadd.s32 $0x22000, s0;
	s13 =	smul.u32 $0x4EC0, s14  }
0x8: {  	s6 =	sadd.s32 $0x18200, s0;
	s10 =	sshll.u32 s14, $0x1;
	s7 =	smul.u32 $0x9E000, s9  }
0x9: {  	_ =	strace $0x8000004A;
	s11 =	ssub.s32 $0x2, s9;
	s10 =	sor.u32 s9, s10  }
0xa: {  	s22 =	smul.u32 $0x2760, s9;
	s19 =	sshrl.u32 s1, $0x3;
	s20 =	sshrl.u32 s11, $0x1  }
0xb: {  	s12 =	smul.u32 $0x2760, s10;
	s10 =	sadd.s32 s1, s3;
	s8 =	sadd.s32 s19, s0  }
0xc: {  	s7 =	sadd.s32 s1, s7;
	s16 =	ssub.s32 s11, s20;
	s20 =	sadd.s32 s1, s2  }
0xd: {  	s19 =	sadd.s32 s22, s13;
	s22 =	simm.s32 $0x4;
	s7 =	sshrl.u32 s7, $0x3  }
0xe: {  	s21 =	sadd.s32 $0x4600, s8;
	s8 =	sshll.u32 s14, $0x6;
	s24 =	sshrl.u32 s12, $0x3  }
0xf: {  	s25 =	sadd.s32 $0x150, s19;
	s16 =	smax.u32 s16, $0x1;
	s19 =	sadd.s32 $0xE0, s19  }
0x10: {  	s20 =	sshrl.u32 s20, $0x3;
	s0 =	sadd.s32 s7, s0;
	[dreg:$0x4] =	wrdreg s21  }
0x11: {  	s23 =	sor.u32 $0x1C01, s8;
	s11 =	sadd.s32 s5, s24;
	s15 =	sadd.s32 $0xE, s24  }
0x12: {  	s12 =	sadd.s32 s6, s24;
	s26 =	sshrl.u32 s25, $0x3;
	s24 =	simm.s32 $0x70  }
0x13: {  	s25 =	simm.s32 $0x150;
	[dreg:$0x5] =	wrdreg s23;
	s13 =	sadd.s32 s5, s15  }
0x14: {  	s14 =	sadd.s32 s6, s15;
	s15 =	sadd.s32 $0x2BE00, s0;
	s17 =	sadd.s32 s26, s6  }
0x15: {  	v0 =	vimm.f32 $0.0e+00;
	s18 =	sadd.s32 s26, s5;
	s23 =	simm.s32 $0xE0;
	s26 =	simm.s32 $0x1  }
.LBB2_1:
0x16: {  	s0 =	rddreg [dreg:$0x4]  }
0x17: {  	s1 =	rddreg [dreg:$0x5];
	s7 =	sand.u32 $0x3FF00, s4  }
0x18: {  	[spmem:s20], [sflag:s1] =	dma.local [hbm:s0], $0x13C0  }
0x19: {  	s9 =	sand.u32 $0x30, s4;
	s21 =	sshrl.u32 s7, $0x2  }
0x1a: {  	s0 =	simm.s32 $0x40;
	s1 =	simm.s32 $0x0;
	s21 =	sor.u32 s9, s21  }
.LBB2_2:
0x1b: {  	p0 =	sne.s32 s0, $0x277C0  }
0x1c: {  	[tilespmem:s21+$0x1DC0] =	vst v0;
	s1 =	sadd.s32 $0x10, s1;
	s21 =	smov.u32 s0;
	s0 =	sadd.s32 $0x40, s0  }
.Ltmp0:
0x1d: {  	(pc) =	sbr.rel @p0 .LBB2_2-.Ltmp0, $4  }
0x1e: {  	_ = 	snop  }
0x1f: {  	s21 =	sand.u32 $0x3FF00, s21  }
0x20: {  	s7 =	sand.u32 $0x30, s1;
	s21 =	sshrl.u32 s21, $0x2  }
0x21: {  	s21 =	sor.u32 s7, s21  }
0x22: {  	[tilespmem:s21+$0x1DC0] =	vst v0;
	s0 =	simm.s32 $0x1DC0  }
0x23: {  	[spmem:s10] =	stream.linear.scatter [tilespmem:s0], [sflag:$0x4], $0x9E00, $0x38;
	[tilespmem:$0x1F7C0] =	vst v63  }
0x24: {  	_ =	swait.ge [sflag:s22], $0x9E00  }
0x25: {  	[sflag:s22] =	ssyncset.done $0x0  }
0x26: {  	s7 =	simm.s32 $0x0;
	[sflag:s22] =	ssyncadd.s32 $0xFFFF6200  }
0x27: {  	[tilespmem:s7], [sflag:$0x2] =	stream.linear.gather [hbm4b:s11+s7], $0x70, $0x38;
	[tilespmem:$0x1F7C0] =	vst v63  }
0x28: {  	_ = 	snop  }
0x29: {  	[tilespmem:s23], [sflag:$0x2] =	stream.linear.gather [hbm4b:s12+s7], $0x70, $0x38;
	[tilespmem:$0x1F7C0] =	vst v63  }
0x2a: {  	_ = 	snop  }
0x2b: {  	[tilespmem:s24], [sflag:$0x3] =	stream.linear.gather [hbm4b:s13+s7], $0x70, $0x38;
	[tilespmem:$0x1F7C0] =	vst v63  }
0x2c: {  	_ = 	snop  }
0x2d: {  	[tilespmem:s25], [sflag:$0x3] =	stream.linear.gather [hbm4b:s14+s7], $0x70, $0x38;
	[tilespmem:$0x1F7C0] =	vst v63  }
0x2e: {  	_ =	swait.ge [sflag:s26], $0x13C0  }
0x2f: {  	[sflag:s26] =	ssyncset.done $0x0  }
0x30: {  	[sflag:s26] =	ssyncadd.s32 $0xFFFFEC40  }
0x31: {  	[bflag:$0x0] =	sbarrier.arrive $0xFFFF  }
0x32: {  	_ =	swait.ge [sflag:s28], $0x70  }
0x33: {  	[sflag:s28] =	ssyncset.done $0x0  }
0x34: {  	[sflag:s28] =	ssyncadd.s32 $0xFFFFFF90  }
0x35: {  	_ =	swait.ge [sflag:s28], $0x70  }
0x36: {  	[sflag:s28] =	ssyncset.done $0x0  }
0x37: {  	[sflag:s28] =	ssyncadd.s32 $0xFFFFFF90  }
0x38: {  	[tilespmem:s29], [sflag:$0x1] =	stream.indirect.gather [spmem:s2], $0x40, s4, s24, $0xb8;
	[tilespmem:$0x1F7C0] =	vst v63  }
0x39: {  	_ =	swait.ge [sflag:s26], $0x1C00  }
0x3a: {  	[sflag:s26] =	ssyncset.done $0x0  }
0x3b: {  	[sflag:s26] =	ssyncadd.s32 $0xFFFFE400  }
0x3c: {  	[spmem:s3] =	stream.indirect.scatter.add.f32 [tilespmem:s29], [sflag:$0x4], $0x40, s23, s24, $0xb8;
	[tilespmem:$0x1F7C0] =	vst v63  }
0x3d: {  	_ =	swait.ge [sflag:s22], $0x1C00  }
0x3e: {  	s9 =	sshrl.u32 s19, $0x3;
	[sflag:s22] =	ssyncset.done $0x0  }
0x3f: {  	s1 =	sadd.s32 s5, s9;
	[sflag:s22] =	ssyncadd.s32 $0xFFFFE400  }
0x40: {  	[tilespmem:s4], [sflag:$0x2] =	stream.linear.gather [hbm4b:s1+s4], $0x70, $0x38;
	[tilespmem:$0x1F7C0] =	vst v63  }
0x41: {  	s0 =	sadd.s32 s6, s9  }
0x42: {  	[tilespmem:s23], [sflag:$0x2] =	stream.linear.gather [hbm4b:s0+s4], $0x70, $0x38;
	[tilespmem:$0x1F7C0] =	vst v63  }
0x43: {  	_ =	swait.ge [sflag:s30], $0x70  }
0x44: {  	[sflag:s30] =	ssyncset.done $0x0  }
0x45: {  	[sflag:s30] =	ssyncadd.s32 $0xFFFFFF90  }
0x46: {  	_ =	swait.ge [sflag:s30], $0x70  }
0x47: {  	[sflag:s30] =	ssyncset.done $0x0  }
0x48: {  	[sflag:s30] =	ssyncadd.s32 $0xFFFFFF90  }
0x49: {  	[tilespmem:s29], [sflag:$0x1] =	stream.indirect.gather [spmem:s2], $0x40, s24, s24, $0xb8;
	[tilespmem:$0x1F7C0] =	vst v63  }
0x4a: {  	_ =	swait.ge [sflag:s26], $0x1C00  }
0x4b: {  	[sflag:s26] =	ssyncset.done $0x0  }
0x4c: {  	[sflag:s26] =	ssyncadd.s32 $0xFFFFE400  }
0x4d: {  	[spmem:s3] =	stream.indirect.scatter.add.f32 [tilespmem:s29], [sflag:$0x4], $0x40, s25, s24, $0xb8;
	[tilespmem:$0x1F7C0] =	vst v63  }
0x4e: {  	_ =	swait.ge [sflag:s22], $0x1C00  }
0x4f: {  	[sflag:s22] =	ssyncset.done $0x0  }
0x50: {  	s21 =	sadd.s32 $0x0, s18;
	[sflag:s22] =	ssyncadd.s32 $0xFFFFE400  }
0x51: {  	[tilespmem:s24], [sflag:$0x3] =	stream.linear.gather [hbm4b:s21+s4], $0x70, $0x38;
	[tilespmem:$0x1F7C0] =	vst v63  }
0x52: {  	s1 =	simm.s32 $0x1C;
	s0 =	sadd.s32 $0xE0, s19;
	s21 =	sadd.s32 $0x0, s17  }
.LBB2_4:
0x53: {  	[tilespmem:s25], [sflag:$0x3] =	stream.linear.gather [hbm4b:s21+s4], $0x70, $0x38;
	[tilespmem:$0x1F7C0] =	vst v63  }
0x54: {  	s21 =	smov.u32 s1  }
0x55: {  	p0 =	sne.s32 s1, $0x4B4;
	s1 =	sadd.s32 $0x1C, s1;
	_ =	swait.ge [sflag:s28], $0x70  }
0x56: {  	[sflag:s28] =	ssyncset.done $0x0  }
0x57: {  	[sflag:s28] =	ssyncadd.s32 $0xFFFFFF90  }
0x58: {  	_ =	swait.ge [sflag:s28], $0x70  }
0x59: {  	[sflag:s28] =	ssyncset.done $0x0  }
0x5a: {  	[sflag:s28] =	ssyncadd.s32 $0xFFFFFF90  }
0x5b: {  	[tilespmem:s29], [sflag:$0x1] =	stream.indirect.gather [spmem:s2], $0x40, s4, s24, $0xb8;
	[tilespmem:$0x1F7C0] =	vst v63  }
0x5c: {  	_ =	swait.ge [sflag:s26], $0x1C00  }
0x5d: {  	[sflag:s26] =	ssyncset.done $0x0  }
0x5e: {  	[sflag:s26] =	ssyncadd.s32 $0xFFFFE400  }
0x5f: {  	[spmem:s3] =	stream.indirect.scatter.add.f32 [tilespmem:s29], [sflag:$0x4], $0x40, s23, s24, $0xb8;
	[tilespmem:$0x1F7C0] =	vst v63  }
0x60: {  	_ =	swait.ge [sflag:s22], $0x1C00  }
0x61: {  	s7 =	sshrl.u32 s0, $0x3;
	[sflag:s22] =	ssyncset.done $0x0  }
0x62: {  	s9 =	sadd.s32 s5, s7;
	[sflag:s22] =	ssyncadd.s32 $0xFFFFE400  }
0x63: {  	[tilespmem:s4], [sflag:$0x2] =	stream.linear.gather [hbm4b:s9+s4], $0x70, $0x38;
	[tilespmem:$0x1F7C0] =	vst v63  }
0x64: {  	s7 =	sadd.s32 s6, s7  }
0x65: {  	[tilespmem:s23], [sflag:$0x2] =	stream.linear.gather [hbm4b:s7+s4], $0x70, $0x38;
	[tilespmem:$0x1F7C0] =	vst v63  }
0x66: {  	_ =	swait.ge [sflag:s30], $0x70  }
0x67: {  	[sflag:s30] =	ssyncset.done $0x0  }
0x68: {  	[sflag:s30] =	ssyncadd.s32 $0xFFFFFF90  }
0x69: {  	_ =	swait.ge [sflag:s30], $0x70  }
0x6a: {  	[sflag:s30] =	ssyncset.done $0x0  }
0x6b: {  	[sflag:s30] =	ssyncadd.s32 $0xFFFFFF90  }
0x6c: {  	[tilespmem:s29], [sflag:$0x1] =	stream.indirect.gather [spmem:s2], $0x40, s24, s24, $0xb8;
	[tilespmem:$0x1F7C0] =	vst v63  }
0x6d: {  	_ =	swait.ge [sflag:s26], $0x1C00  }
0x6e: {  	[sflag:s26] =	ssyncset.done $0x0  }
0x6f: {  	[sflag:s26] =	ssyncadd.s32 $0xFFFFE400  }
0x70: {  	[spmem:s3] =	stream.indirect.scatter.add.f32 [tilespmem:s29], [sflag:$0x4], $0x40, s25, s24, $0xb8;
	[tilespmem:$0x1F7C0] =	vst v63  }
.Ltmp1:
0x71: {  	_ =	swait.ge [sflag:s22], $0x1C00;
	(pc) =	sbr.rel @p0 .LBB2_4-.Ltmp1, $4  }
0x72: {  	[sflag:s22] =	ssyncset.done $0x0  }
0x73: {  	s7 =	sadd.s32 s21, s18;
	[sflag:s22] =	ssyncadd.s32 $0xFFFFE400  }
0x74: {  	[tilespmem:s24], [sflag:$0x3] =	stream.linear.gather [hbm4b:s7+s4], $0x70, $0x38;
	[tilespmem:$0x1F7C0] =	vst v63  }
0x75: {  	s0 =	sadd.s32 $0xE0, s0;
	s21 =	sadd.s32 s21, s17  }
0x76: {  	[tilespmem:s25], [sflag:$0x3] =	stream.linear.gather [hbm4b:s21+s4], $0x70, $0x38;
	[tilespmem:$0x1F7C0] =	vst v63  }
0x77: {  	_ =	swait.ge [sflag:s28], $0x70  }
0x78: {  	[sflag:s28] =	ssyncset.done $0x0  }
0x79: {  	[sflag:s28] =	ssyncadd.s32 $0xFFFFFF90  }
0x7a: {  	_ =	swait.ge [sflag:s28], $0x70  }
0x7b: {  	[sflag:s28] =	ssyncset.done $0x0  }
0x7c: {  	[sflag:s28] =	ssyncadd.s32 $0xFFFFFF90  }
0x7d: {  	[tilespmem:s29], [sflag:$0x1] =	stream.indirect.gather [spmem:s2], $0x40, s4, s24, $0xb8;
	[tilespmem:$0x1F7C0] =	vst v63  }
0x7e: {  	_ =	swait.ge [sflag:s26], $0x1C00  }
0x7f: {  	[sflag:s26] =	ssyncset.done $0x0  }
0x80: {  	[sflag:s26] =	ssyncadd.s32 $0xFFFFE400  }
0x81: {  	[spmem:s3] =	stream.indirect.scatter.add.f32 [tilespmem:s29], [sflag:$0x4], $0x40, s23, s24, $0xb8;
	[tilespmem:$0x1F7C0] =	vst v63  }
0x82: {  	_ =	swait.ge [sflag:s22], $0x1C00  }
0x83: {  	[sflag:s22] =	ssyncset.done $0x0  }
0x84: {  	[sflag:s22] =	ssyncadd.s32 $0xFFFFE400  }
0x85: {  	_ =	swait.ge [sflag:s30], $0x70  }
0x86: {  	[sflag:s30] =	ssyncset.done $0x0  }
0x87: {  	[sflag:s30] =	ssyncadd.s32 $0xFFFFFF90  }
0x88: {  	_ =	swait.ge [sflag:s30], $0x70  }
0x89: {  	[sflag:s30] =	ssyncset.done $0x0  }
0x8a: {  	[sflag:s30] =	ssyncadd.s32 $0xFFFFFF90  }
0x8b: {  	[tilespmem:s29], [sflag:$0x1] =	stream.indirect.gather [spmem:s2], $0x40, s24, s24, $0xb8;
	[tilespmem:$0x1F7C0] =	vst v63  }
0x8c: {  	_ =	swait.ge [sflag:s26], $0x1C00  }
0x8d: {  	[sflag:s26] =	ssyncset.done $0x0  }
0x8e: {  	[sflag:s26] =	ssyncadd.s32 $0xFFFFE400  }
0x8f: {  	[spmem:s3] =	stream.indirect.scatter.add.f32 [tilespmem:s29], [sflag:$0x4], $0x40, s25, s24, $0xb8;
	[tilespmem:$0x1F7C0] =	vst v63  }
0x90: {  	_ =	swait.ge [sflag:s22], $0x1C00  }
0x91: {  	s31 =	sadd.s32 $0x1, s31;
	[sflag:s22] =	ssyncset.done $0x0  }
0x92: {  	s0 =	sor.u32 $0x1C04, s8;
	p0 =	sne.s32 s31, s16;
	[sflag:s22] =	ssyncadd.s32 $0xFFFFE400  }
.Ltmp2:
0x93: {  	s1 =	sshrl.u32 s10, $0x3;
	[bflag:$0x0] =	sbarrier.arrive $0xFFFF;
	(pc) =	sbr.rel @p0 .LBB2_1-.Ltmp2, $4  }
0x94: {  	[hbm:s15], [sflag:s0] =	dma.local [spmem:s1], $0x13C0  }
0x95: {  	_ =	swait.ge [sflag:s22], $0x13C0  }
0x96: {  	[sflag:s22] =	ssyncset.done $0x0  }
0x97: {  	[sflag:s22] =	ssyncadd.s32 $0xFFFFEC40  }
0x98: {  	_ =	sfence.sel $0x180000  }
0x99: {  	[bflag:$0x0] =	sbarrier.arrive $0xFFFF  }
0x9a: {  	_ =	strace $0x9000004A  }
0x9b: {  	s0 =	stileid.u32;
	[bflag:$0x2] =	sbarrier.arrive $0xFFFF  }
0x9c: {  	p0 =	sne.s32 s0, $0x0;
	s0 =	rddreg [dreg:$0x3]  }
0x9d: {  	s0 =	sadd.s32 @!p0 $0x100000, s0  }
0x9e: {  	[sflag:s0] =	ssyncadd.tile.s32 @!p0 $0x1;
	_ =	shalt  }
.Lfunc_end2:
_tile_overlayer_lowered:
.L_overlay_start_2:
0x9f: {  	(tag) =	ssettag $0x2  }
0xa0: {  	s0 =	rddreg [dreg:$0x0];
	s2 =	stileid.u32  }
0xa1: {  	s1 =	rddreg [dreg:$0x1];
	p0 =	sne.s32 s2, $0x0  }
0xa2: {  	s3 =	rddreg [dreg:$0x2];
	[bflag:$0x3] =	sbarrier.arrive $0xFFFF;
	s2 =	simm.s32 @!p0 $0x1C04  }
0xa3: {  	[timem:s3], [sflag:s2] =	dma.local @!p0 [hbm:s0], s1  }
0xa4: {  	s0 =	simm.s32 @!p0 $0x4  }
0xa5: {  	_ =	swait.ge @!p0 [sflag:s0], s1  }
0xa6: {  	s1 =	ssub.s32 @!p0 $0x0, s1;
	[sflag:s0] =	ssyncset.done @!p0 $0x0  }
0xa7: {  	[sflag:s0] =	ssyncadd.s32 @!p0 s1  }
0xa8: {  	[bflag:$0x3] =	sbarrier.arrive $0xFFFF  }
0xa9: {  	_ =	shalt  }

// kernel: kernel.7.cloned.1.call-start
scs
__scs_entry_jumppad:
0x0: {  	(pc) =	sbr.rel $0x88, $3  }
0x1: {  	(tag) =	ssettag $0x0;
	lr =	simm.s32 $0x1  }
0x2: {  	[smem:$0x3F7E] =	sst lr;
	_ =	strace $0xD0000000  }
0x3: {  	_ = 	snop  }
0x4: {  	_ = 	snop  }
0x5: {  	_ = 	snop  }
0x6: {  	_ = 	snop  }
0x7: {  	_ = 	snop  }
__scs_overlays_trampoline_lowered:
0x8: {  	[smem:$0x3F8D] =	sst s0  }
0x9: {  	[smem:$0x3F8E] =	sst s1  }
0xa: {  	[smem:$0x3F8F] =	sst s2  }
0xb: {  	[smem:$0x3F90] =	sst s3  }
0xc: {  	[smem:$0x3F91] =	sst s4  }
0xd: {  	[smem:$0x3F92] =	sst s5  }
0xe: {  	[smem:$0x3F93] =	sst s6  }
0xf: {  	[smem:$0x3F94] =	sst s7  }
0x10: {  	[smem:$0x3F95] =	sst s8  }
0x11: {  	[smem:$0x3F96] =	sst s9;
	s0 =	simm.s32 @!p0 $0x0  }
0x12: {  	s1 =	sld [smem:$0x3F7C];
	s0 =	simm.s32 @p0 $0x1  }
0x13: {  	[smem:$0x3F97] =	sst s0;
	s0 =	simm.s32 @!p1 $0x0  }
0x14: {  	s2 =	sld [smem:$0x3F7B];
	s0 =	simm.s32 @p1 $0x1  }
0x15: {  	[smem:$0x3F98] =	sst s0;
	s0 =	simm.s32 @!p2 $0x0  }
0x16: {  	s3 =	sld [smem:$0x3FDB];
	s0 =	simm.s32 @p2 $0x1  }
0x17: {  	s4 =	simm.s32 $0x1BF5;
	[smem:$0x3F9A] =	sst s0  }
0x18: {  	s0 =	sld [smem:$0x3F7D];
	_ =	swait.ge [sflag:s4], $0x0  }
0x19: {  	s7 =	sld [smem:$0x3F7E]  }
0x1a: {  	s8 =	sadd.s32 $0xFFFFE003, lr  }
0x1b: {  	s9 =	sadd.s32 $0xFFFFFEF7, lr;
	s5 =	simm.s32 $0xFFFFFFFF;
	p2 =	slt.u32 s8, $0xFFFFF086  }
0x1c: {  	p1 =	slt.u32 s9, $0xF7A;
	s5 =	simm.s32 @!p2 $0x0  }
0x1d: {  	s5 =	simm.s32 @p1 $0x1;
	p0 =	seq.s32 s7, s2  }
0x1e: {  	s7 =	smul.u32 @!p0 $0xF7A, s2;
	p2 =	seq.s32 @!p0 s5, $0x0  }
0x1f: {  	s9 =	smul.u32 $0xF7A, s1;
	s8 =	simm.s32 @!p0 $0x1BF5;
	p2 =	por !p2, p0  }
0x20: {  	[sflag:s8] =	ssyncset.s32 @!p0 $0xFFFFF086;
	s6 =	sadd.s32 @!p0 s3, s7;
	s7 =	simm.s32 @!p0 $0x108  }
0x21: {  	s3 =	sadd.s32 s3, s9;
	s6 =	sadd.s32 @!p0 $0x88, s6;
	s7 =	simm.s32 @p2 $0x1082  }
0x22: {  	[simem:s7], [sflag:s8] =	dma.local @!p0 [hbm:s6], $0xF7A  }
0x23: {  	s9 =	sor.u32 $0xD0000000, s2;
	s6 =	simm.s32 $0x108;
	_ =	swait.ge @!p0 [sflag:s8], $0x0  }
0x24: {  	s3 =	sadd.s32 $0x88, s3;
	s6 =	simm.s32 @!p1 $0x1082;
	[sflag:s4] =	ssyncset.s32 $0xFFFFF086  }
0x25: {  	[simem:s6], [sflag:s4] =	dma.local [hbm:s3], $0xF7A  }
0x26: {  	[smem:$0x3F7E] =	sst s1;
	(tag) =	ssettag s2;
	_ =	strace s9  }
0x27: {  	s1 =	sld [smem:$0x3F8E]  }
0x28: {  	s2 =	sld [smem:$0x3F8F]  }
0x29: {  	s4 =	sld [smem:$0x3F91]  }
0x2a: {  	p0 =	seq.s32 s5, $0x0;
	s5 =	sld [smem:$0x3F92]  }
0x2b: {  	s6 =	sld [smem:$0x3F93]  }
0x2c: {  	s7 =	sld [smem:$0x3F94]  }
0x2d: {  	s3 =	simm.s32 $0x108;
	s8 =	sld [smem:$0x3F95]  }
0x2e: {  	s3 =	simm.s32 @!p0 $0x1082;
	s9 =	sld [smem:$0x3F96]  }
0x2f: {  	lr =	sadd.s32 s0, s3;
	s0 =	sld [smem:$0x3F8D]  }
0x30: {  	s3 =	sld [smem:$0x3F90]  }
0x31: {  	[smem:$0x3F99] =	sst s10  }
0x32: {  	s10 =	sld [smem:$0x3F97];
	_ =	sdelay $0x3  }
0x33: {  	p0 =	seq.s32 s10, $0x1;
	s10 =	sld [smem:$0x3F99];
	_ =	sdelay $0x3  }
0x34: {  	[smem:$0x3F99] =	sst s10  }
0x35: {  	s10 =	sld [smem:$0x3F98];
	_ =	sdelay $0x3  }
0x36: {  	p1 =	seq.s32 s10, $0x1;
	s10 =	sld [smem:$0x3F99];
	_ =	sdelay $0x3  }
0x37: {  	[smem:$0x3F99] =	sst s10  }
0x38: {  	s10 =	sld [smem:$0x3F9A]  }
0x39: {  	_ = 	snop;
	(pc) =	sbr.ind lr, $3  }
0x3a: {  	_ = 	snop  }
0x3b: {  	_ = 	snop  }
0x3c: {  	p2 =	seq.s32 s10, $0x1;
	s10 =	sld [smem:$0x3F99]  }
0x3d: {  	_ =	shalt  }
0x3e: {  	_ =	shalt  }
0x3f: {  	_ =	shalt  }
0x40: {  	_ =	shalt  }
0x41: {  	_ =	shalt  }
0x42: {  	_ =	shalt  }
0x43: {  	_ =	shalt  }
0x44: {  	_ =	shalt  }
0x45: {  	_ =	shalt  }
0x46: {  	_ =	shalt  }
0x47: {  	_ =	shalt  }
0x48: {  	_ =	shalt  }
0x49: {  	_ =	shalt  }
0x4a: {  	_ =	shalt  }
0x4b: {  	_ =	shalt  }
0x4c: {  	_ =	shalt  }
0x4d: {  	_ =	shalt  }
0x4e: {  	_ =	shalt  }
0x4f: {  	_ =	shalt  }
0x50: {  	_ =	shalt  }
0x51: {  	_ =	shalt  }
0x52: {  	_ =	shalt  }
0x53: {  	_ =	shalt  }
0x54: {  	_ =	shalt  }
0x55: {  	_ =	shalt  }
0x56: {  	_ =	shalt  }
0x57: {  	_ =	shalt  }
0x58: {  	_ =	shalt  }
0x59: {  	_ =	shalt  }
0x5a: {  	_ =	shalt  }
0x5b: {  	_ =	shalt  }
0x5c: {  	_ =	shalt  }
0x5d: {  	_ =	shalt  }
0x5e: {  	_ =	shalt  }
0x5f: {  	_ =	shalt  }
0x60: {  	_ =	shalt  }
0x61: {  	_ =	shalt  }
0x62: {  	_ =	shalt  }
0x63: {  	_ =	shalt  }
0x64: {  	_ =	shalt  }
0x65: {  	_ =	shalt  }
0x66: {  	_ =	shalt  }
0x67: {  	_ =	shalt  }
0x68: {  	_ =	shalt  }
0x69: {  	_ =	shalt  }
0x6a: {  	_ =	shalt  }
0x6b: {  	_ =	shalt  }
0x6c: {  	_ =	shalt  }
0x6d: {  	_ =	shalt  }
0x6e: {  	_ =	shalt  }
0x6f: {  	_ =	shalt  }
0x70: {  	_ =	shalt  }
0x71: {  	_ =	shalt  }
0x72: {  	_ =	shalt  }
0x73: {  	_ =	shalt  }
0x74: {  	_ =	shalt  }
0x75: {  	_ =	shalt  }
0x76: {  	_ =	shalt  }
0x77: {  	_ =	shalt  }
0x78: {  	_ =	shalt  }
0x79: {  	_ =	shalt  }
0x7a: {  	_ =	shalt  }
0x7b: {  	_ =	shalt  }
0x7c: {  	_ =	shalt  }
0x7d: {  	_ =	shalt  }
0x7e: {  	_ =	shalt  }
0x7f: {  	_ =	shalt  }
0x80: {  	_ =	shalt  }
0x81: {  	_ =	shalt  }
0x82: {  	_ =	shalt  }
0x83: {  	_ =	shalt  }
0x84: {  	_ =	shalt  }
0x85: {  	_ =	shalt  }
0x86: {  	_ =	shalt  }
0x87: {  	_ =	shalt  }
.Lfunc_end0:
.L_simem_size_0:
called_computation_lowered:
.L_overlay_start_0:
0x88: {  	s2 =	sld [smem:$0x3FD9]  }
0x89: {  	s3 =	sld [smem:$0x3FFE];
	_ =	sdelay $0x1  }
0x8a: {  	s1 =	srdreg.scid  }
0x8b: {  	s0 =	sand.u32 $0x1, s1  }
0x8c: {  	s16 =	sshll.u32 s0, $0xA;
	s2 =	sadd.s32 s3, s2  }
0x8d: {  	s2 =	sadd.s32 s2, s16  }
0x8e: {  	[smem:$0x3FA5] =	sst s2  }
0x8f: {  	_ = 	snop  }
0x90: {  	(tm) =	ssettm $0x1  }
0x91: {  	s17 =	sld [smem:$0x3FFB];
	_ =	sdelay $0x3  }
0x92: {  	_ =	strace s17  }
0x93: {  	s2 =	sld [smem:$0x3FFC];
	_ =	sdelay $0x3  }
0x94: {  	_ =	strace s2  }
0x95: {  	s2 =	sld [smem:$0x3FFD];
	_ =	sdelay $0x3  }
0x96: {  	_ =	strace s2  }
0x97: {  	_ =	strace $0x8FFFFFFF  }
0x98: {  	s18 =	sld [smem:$0x3FDB];
	_ =	sdelay $0x1  }
0x99: {  	s19 =	simm.s32 $_scs_section_size  }
0x9a: {  	s4 =	simm.s32 $_size__tile_overlayer_lowered;
	s5 =	simm.s32 $_tile_overlayer_lowered  }
0x9b: {  	s22 =	simm.s32 $0x1BFF;
	s21 =	sshll.u32 s5, $0x1;
	s2 =	sadd.s32 s19, s18  }
0x9c: {  	s6 =	simm.s32 $0x0;
	s20 =	sshll.u32 s4, $0x1;
	s4 =	sadd.s32 s21, s2  }
0x9d: {  	[timem:s6], [sflag:s22] =	dma.local [hbm:s4], s20  }
0x9e: {  	_ =	swait.ge [sflag:s22], s20  }
0x9f: {  	s3 =	ssub.s32 $0x0, s20;
	[sflag:s22] =	ssyncset.done $0x0  }
0xa0: {  	[sflag:s22] =	ssyncadd.s32 s3;
	_ =	sdelay $0x1  }
0xa1: {  	s23 =	simm.s32 $0x1B8B  }
0xa2: {  	_ =	swait.ge [sflag:s23], $0x1  }
0xa3: {  	[sflag:s23] =	ssyncset.done $0x0  }
0xa4: {  	s25 =	simm.s32 $0x1B8E;
	s24 =	sld [smem:$0x3FFE];
	[sflag:s23] =	ssyncadd.s32 $0xFFFFFFFF  }
0xa5: {  	s26 =	simm.s32 $execute0_lowered;
	[smem:$0x3FD2] =	sst s25  }
0xa6: {  	s4 =	sshll.u32 s26, $0x1;
	_ =	strace $0x80000046;
	[dreg:$0x1] =	wrdreg $0xFFFFFFFF  }
0xa7: {  	s28 =	simm.s32 $_size_execute0_lowered;
	s2 =	sadd.s32 s2, s4;
	[dreg:$0x0] =	wrdreg $0x0  }
0xa8: {  	s4 =	sshll.u32 s28, $0x1;
	[dreg:$0x2] =	wrdreg s2  }
0xa9: {  	[dreg:$0x3] =	wrdreg s4  }
0xaa: {  	[dreg:$0x4] =	wrdreg $0xC0  }
0xab: {  	_ =	task [dreg:s6], $0x5FFFF  }
0xac: {  	[dreg:$0x1] =	wrdreg $0xFFFFFFFF  }
0xad: {  	[dreg:$0x0] =	wrdreg $0x60  }
0xae: {  	[dreg:$0x2] =	wrdreg s24  }
0xaf: {  	[dreg:$0x3] =	wrdreg $0x159C00  }
0xb0: {  	[dreg:$0x4] =	wrdreg $0xBBC00  }
0xb1: {  	[dreg:$0x5] =	wrdreg $0x9  }
0xb2: {  	_ =	task.clear_ibuf [dreg:s6], $0x6FFFF;
	_ =	strace $0x90000046  }
0xb3: {  	s29 =	simm.s32 $0x9;
	_ =	strace $0x80000048  }
0xb4: {  	_ =	swait.ge [sflag:s29], $0x1  }
0xb5: {  	[sflag:s29] =	ssyncadd.s32 $0xFFFFFFFF  }
0xb6: {  	_ =	strace $0x90000048  }
0xb7: {  	_ =	sfence  }
0xb8: {  	s30 =	sld [smem:$0x0];
	_ =	sdelay $0x2  }
0xb9: {  	s31 =	sshll.u32 s1, $0xD;
	s1 =	sshrl.u32 s1, $0x2  }
0xba: {  	s3 =	sand.u32 $0x4000, s31;
	s1 =	sadd.s32 s1, s30  }
0xbb: {  	s0 =	sor.u32 s3, s0;
	s1 =	sshll.u32 s1, $0x11  }
0xbc: {  	s0 =	sor.u32 s1, s0  }
0xbd: {  	s0 =	sadd.s32 $0x8F2B, s0  }
0xbe: {  	[sflag:s0] =	ssyncadd.remote.s32 $0x1  }
0xbf: {  	_ =	sfence.sel $0xFFFF  }
0xc0: {  	[dreg:$0x0] =	wrdreg $0xFFFFFFFF;
	(pc) =	sbr.abs _section_cstart, $3  }
0xc1: {  	[dreg:$0x1] =	wrdreg $0xFFFFFFFF  }
0xc2: {  	_ =	task.clear_ibuf [dreg:s6], $0x2FFFF;
	_ =	strace $0x9FFFFFFF  }
0xc3: {  	(tm) =	ssettm $0x7FFFFFFF  }
tec
execute0_lowered:
.L_overlay_start_1:
0x0: {  	(tag) =	ssettag $0x1  }
0x1: {  	s0 =	rddreg [dreg:$0x0]  }
0x2: {  	s2 =	rddreg [dreg:$0x1]  }
0x3: {  	s3 =	rddreg [dreg:$0x2]  }
0x4: {  	s14 =	stileid.u32;
	s5 =	srdreg.scid;
	s4 =	simm.s32 $0x0  }
0x5: {  	s28 =	simm.s32 $0x2;
	s29 =	simm.s32 $0x1C0;
	s30 =	simm.s32 $0x3  }
0x6: {  	s31 =	simm.s32 $0x0;
	s1 =	smul.u32 $0x9E00, s14;
	s9 =	sand.u32 $0x1, s5  }
0x7: {  	[smem:$0x7FF] =	sst s4;
	s5 =	sadd.s32 $0x22000, s0;
	s13 =	smul.u32 $0x4EC0, s14  }
0x8: {  	s6 =	sadd.s32 $0x18200, s0;
	s10 =	sshll.u32 s14, $0x1;
	s7 =	smul.u32 $0x9E000, s9  }
0x9: {  	_ =	strace $0x80000047;
	s11 =	ssub.s32 $0x2, s9;
	s10 =	sor.u32 s9, s10  }
0xa: {  	s22 =	smul.u32 $0x2760, s9;
	s19 =	sshrl.u32 s1, $0x3;
	s20 =	sshrl.u32 s11, $0x1  }
0xb: {  	s12 =	smul.u32 $0x2760, s10;
	s10 =	sadd.s32 s1, s3;
	s8 =	sadd.s32 s19, s0  }
0xc: {  	s7 =	sadd.s32 s1, s7;
	s16 =	ssub.s32 s11, s20;
	s20 =	sadd.s32 s1, s2  }
0xd: {  	s19 =	sadd.s32 s22, s13;
	s22 =	simm.s32 $0x4;
	s7 =	sshrl.u32 s7, $0x3  }
0xe: {  	s21 =	sadd.s32 $0x4600, s8;
	s8 =	sshll.u32 s14, $0x6;
	s24 =	sshrl.u32 s12, $0x3  }
0xf: {  	s25 =	sadd.s32 $0x150, s19;
	s16 =	smax.u32 s16, $0x1;
	s19 =	sadd.s32 $0xE0, s19  }
0x10: {  	s20 =	sshrl.u32 s20, $0x3;
	s0 =	sadd.s32 s7, s0;
	[dreg:$0x4] =	wrdreg s21  }
0x11: {  	s23 =	sor.u32 $0x1C01, s8;
	s11 =	sadd.s32 s5, s24;
	s15 =	sadd.s32 $0xE, s24  }
0x12: {  	s12 =	sadd.s32 s6, s24;
	s26 =	sshrl.u32 s25, $0x3;
	s24 =	simm.s32 $0x70  }
0x13: {  	s25 =	simm.s32 $0x150;
	[dreg:$0x5] =	wrdreg s23;
	s13 =	sadd.s32 s5, s15  }
0x14: {  	s14 =	sadd.s32 s6, s15;
	s15 =	sadd.s32 $0x2BE00, s0;
	s17 =	sadd.s32 s26, s6  }
0x15: {  	v0 =	vimm.f32 $0.0e+00;
	s18 =	sadd.s32 s26, s5;
	s23 =	simm.s32 $0xE0;
	s26 =	simm.s32 $0x1  }
.LBB2_1:
0x16: {  	s0 =	rddreg [dreg:$0x4]  }
0x17: {  	s1 =	rddreg [dreg:$0x5];
	s7 =	sand.u32 $0x3FF00, s4  }
0x18: {  	[spmem:s20], [sflag:s1] =	dma.local [hbm:s0], $0x13C0  }
0x19: {  	s9 =	sand.u32 $0x30, s4;
	s21 =	sshrl.u32 s7, $0x2  }
0x1a: {  	s0 =	simm.s32 $0x40;
	s1 =	simm.s32 $0x0;
	s21 =	sor.u32 s9, s21  }
.LBB2_2:
0x1b: {  	p0 =	sne.s32 s0, $0x277C0  }
0x1c: {  	[tilespmem:s21+$0x1DC0] =	vst v0;
	s1 =	sadd.s32 $0x10, s1;
	s21 =	smov.u32 s0;
	s0 =	sadd.s32 $0x40, s0  }
.Ltmp0:
0x1d: {  	(pc) =	sbr.rel @p0 .LBB2_2-.Ltmp0, $4  }
0x1e: {  	_ = 	snop  }
0x1f: {  	s21 =	sand.u32 $0x3FF00, s21  }
0x20: {  	s7 =	sand.u32 $0x30, s1;
	s21 =	sshrl.u32 s21, $0x2  }
0x21: {  	s21 =	sor.u32 s7, s21  }
0x22: {  	[tilespmem:s21+$0x1DC0] =	vst v0;
	s0 =	simm.s32 $0x1DC0  }
0x23: {  	[spmem:s10] =	stream.linear.scatter [tilespmem:s0], [sflag:$0x4], $0x9E00, $0x38;
	[tilespmem:$0x1F7C0] =	vst v63  }
0x24: {  	_ =	swait.ge [sflag:s22], $0x9E00  }
0x25: {  	[sflag:s22] =	ssyncset.done $0x0  }
0x26: {  	s7 =	simm.s32 $0x0;
	[sflag:s22] =	ssyncadd.s32 $0xFFFF6200  }
0x27: {  	[tilespmem:s7], [sflag:$0x2] =	stream.linear.gather [hbm4b:s11+s7], $0x70, $0x38;
	[tilespmem:$0x1F7C0] =	vst v63  }
0x28: {  	_ = 	snop  }
0x29: {  	[tilespmem:s23], [sflag:$0x2] =	stream.linear.gather [hbm4b:s12+s7], $0x70, $0x38;
	[tilespmem:$0x1F7C0] =	vst v63  }
0x2a: {  	_ = 	snop  }
0x2b: {  	[tilespmem:s24], [sflag:$0x3] =	stream.linear.gather [hbm4b:s13+s7], $0x70, $0x38;
	[tilespmem:$0x1F7C0] =	vst v63  }
0x2c: {  	_ = 	snop  }
0x2d: {  	[tilespmem:s25], [sflag:$0x3] =	stream.linear.gather [hbm4b:s14+s7], $0x70, $0x38;
	[tilespmem:$0x1F7C0] =	vst v63  }
0x2e: {  	_ =	swait.ge [sflag:s26], $0x13C0  }
0x2f: {  	[sflag:s26] =	ssyncset.done $0x0  }
0x30: {  	[sflag:s26] =	ssyncadd.s32 $0xFFFFEC40  }
0x31: {  	[bflag:$0x0] =	sbarrier.arrive $0xFFFF  }
0x32: {  	_ =	swait.ge [sflag:s28], $0x70  }
0x33: {  	[sflag:s28] =	ssyncset.done $0x0  }
0x34: {  	[sflag:s28] =	ssyncadd.s32 $0xFFFFFF90  }
0x35: {  	_ =	swait.ge [sflag:s28], $0x70  }
0x36: {  	[sflag:s28] =	ssyncset.done $0x0  }
0x37: {  	[sflag:s28] =	ssyncadd.s32 $0xFFFFFF90  }
0x38: {  	[tilespmem:s29], [sflag:$0x1] =	stream.indirect.gather [spmem:s2], $0x40, s4, s24, $0xb8;
	[tilespmem:$0x1F7C0] =	vst v63  }
0x39: {  	_ =	swait.ge [sflag:s26], $0x1C00  }
0x3a: {  	[sflag:s26] =	ssyncset.done $0x0  }
0x3b: {  	[sflag:s26] =	ssyncadd.s32 $0xFFFFE400  }
0x3c: {  	[spmem:s3] =	stream.indirect.scatter.add.f32 [tilespmem:s29], [sflag:$0x4], $0x40, s23, s24, $0xb8;
	[tilespmem:$0x1F7C0] =	vst v63  }
0x3d: {  	_ =	swait.ge [sflag:s22], $0x1C00  }
0x3e: {  	s9 =	sshrl.u32 s19, $0x3;
	[sflag:s22] =	ssyncset.done $0x0  }
0x3f: {  	s1 =	sadd.s32 s5, s9;
	[sflag:s22] =	ssyncadd.s32 $0xFFFFE400  }
0x40: {  	[tilespmem:s4], [sflag:$0x2] =	stream.linear.gather [hbm4b:s1+s4], $0x70, $0x38;
	[tilespmem:$0x1F7C0] =	vst v63  }
0x41: {  	s0 =	sadd.s32 s6, s9  }
0x42: {  	[tilespmem:s23], [sflag:$0x2] =	stream.linear.gather [hbm4b:s0+s4], $0x70, $0x38;
	[tilespmem:$0x1F7C0] =	vst v63  }
0x43: {  	_ =	swait.ge [sflag:s30], $0x70  }
0x44: {  	[sflag:s30] =	ssyncset.done $0x0  }
0x45: {  	[sflag:s30] =	ssyncadd.s32 $0xFFFFFF90  }
0x46: {  	_ =	swait.ge [sflag:s30], $0x70  }
0x47: {  	[sflag:s30] =	ssyncset.done $0x0  }
0x48: {  	[sflag:s30] =	ssyncadd.s32 $0xFFFFFF90  }
0x49: {  	[tilespmem:s29], [sflag:$0x1] =	stream.indirect.gather [spmem:s2], $0x40, s24, s24, $0xb8;
	[tilespmem:$0x1F7C0] =	vst v63  }
0x4a: {  	_ =	swait.ge [sflag:s26], $0x1C00  }
0x4b: {  	[sflag:s26] =	ssyncset.done $0x0  }
0x4c: {  	[sflag:s26] =	ssyncadd.s32 $0xFFFFE400  }
0x4d: {  	[spmem:s3] =	stream.indirect.scatter.add.f32 [tilespmem:s29], [sflag:$0x4], $0x40, s25, s24, $0xb8;
	[tilespmem:$0x1F7C0] =	vst v63  }
0x4e: {  	_ =	swait.ge [sflag:s22], $0x1C00  }
0x4f: {  	[sflag:s22] =	ssyncset.done $0x0  }
0x50: {  	s21 =	sadd.s32 $0x0, s18;
	[sflag:s22] =	ssyncadd.s32 $0xFFFFE400  }
0x51: {  	[tilespmem:s24], [sflag:$0x3] =	stream.linear.gather [hbm4b:s21+s4], $0x70, $0x38;
	[tilespmem:$0x1F7C0] =	vst v63  }
0x52: {  	s1 =	simm.s32 $0x1C;
	s0 =	sadd.s32 $0xE0, s19;
	s21 =	sadd.s32 $0x0, s17  }
.LBB2_4:
0x53: {  	[tilespmem:s25], [sflag:$0x3] =	stream.linear.gather [hbm4b:s21+s4], $0x70, $0x38;
	[tilespmem:$0x1F7C0] =	vst v63  }
0x54: {  	s21 =	smov.u32 s1  }
0x55: {  	p0 =	sne.s32 s1, $0x4B4;
	s1 =	sadd.s32 $0x1C, s1;
	_ =	swait.ge [sflag:s28], $0x70  }
0x56: {  	[sflag:s28] =	ssyncset.done $0x0  }
0x57: {  	[sflag:s28] =	ssyncadd.s32 $0xFFFFFF90  }
0x58: {  	_ =	swait.ge [sflag:s28], $0x70  }
0x59: {  	[sflag:s28] =	ssyncset.done $0x0  }
0x5a: {  	[sflag:s28] =	ssyncadd.s32 $0xFFFFFF90  }
0x5b: {  	[tilespmem:s29], [sflag:$0x1] =	stream.indirect.gather [spmem:s2], $0x40, s4, s24, $0xb8;
	[tilespmem:$0x1F7C0] =	vst v63  }
0x5c: {  	_ =	swait.ge [sflag:s26], $0x1C00  }
0x5d: {  	[sflag:s26] =	ssyncset.done $0x0  }
0x5e: {  	[sflag:s26] =	ssyncadd.s32 $0xFFFFE400  }
0x5f: {  	[spmem:s3] =	stream.indirect.scatter.add.f32 [tilespmem:s29], [sflag:$0x4], $0x40, s23, s24, $0xb8;
	[tilespmem:$0x1F7C0] =	vst v63  }
0x60: {  	_ =	swait.ge [sflag:s22], $0x1C00  }
0x61: {  	s7 =	sshrl.u32 s0, $0x3;
	[sflag:s22] =	ssyncset.done $0x0  }
0x62: {  	s9 =	sadd.s32 s5, s7;
	[sflag:s22] =	ssyncadd.s32 $0xFFFFE400  }
0x63: {  	[tilespmem:s4], [sflag:$0x2] =	stream.linear.gather [hbm4b:s9+s4], $0x70, $0x38;
	[tilespmem:$0x1F7C0] =	vst v63  }
0x64: {  	s7 =	sadd.s32 s6, s7  }
0x65: {  	[tilespmem:s23], [sflag:$0x2] =	stream.linear.gather [hbm4b:s7+s4], $0x70, $0x38;
	[tilespmem:$0x1F7C0] =	vst v63  }
0x66: {  	_ =	swait.ge [sflag:s30], $0x70  }
0x67: {  	[sflag:s30] =	ssyncset.done $0x0  }
0x68: {  	[sflag:s30] =	ssyncadd.s32 $0xFFFFFF90  }
0x69: {  	_ =	swait.ge [sflag:s30], $0x70  }
0x6a: {  	[sflag:s30] =	ssyncset.done $0x0  }
0x6b: {  	[sflag:s30] =	ssyncadd.s32 $0xFFFFFF90  }
0x6c: {  	[tilespmem:s29], [sflag:$0x1] =	stream.indirect.gather [spmem:s2], $0x40, s24, s24, $0xb8;
	[tilespmem:$0x1F7C0] =	vst v63  }
0x6d: {  	_ =	swait.ge [sflag:s26], $0x1C00  }
0x6e: {  	[sflag:s26] =	ssyncset.done $0x0  }
0x6f: {  	[sflag:s26] =	ssyncadd.s32 $0xFFFFE400  }
0x70: {  	[spmem:s3] =	stream.indirect.scatter.add.f32 [tilespmem:s29], [sflag:$0x4], $0x40, s25, s24, $0xb8;
	[tilespmem:$0x1F7C0] =	vst v63  }
.Ltmp1:
0x71: {  	_ =	swait.ge [sflag:s22], $0x1C00;
	(pc) =	sbr.rel @p0 .LBB2_4-.Ltmp1, $4  }
0x72: {  	[sflag:s22] =	ssyncset.done $0x0  }
0x73: {  	s7 =	sadd.s32 s21, s18;
	[sflag:s22] =	ssyncadd.s32 $0xFFFFE400  }
0x74: {  	[tilespmem:s24], [sflag:$0x3] =	stream.linear.gather [hbm4b:s7+s4], $0x70, $0x38;
	[tilespmem:$0x1F7C0] =	vst v63  }
0x75: {  	s0 =	sadd.s32 $0xE0, s0;
	s21 =	sadd.s32 s21, s17  }
0x76: {  	[tilespmem:s25], [sflag:$0x3] =	stream.linear.gather [hbm4b:s21+s4], $0x70, $0x38;
	[tilespmem:$0x1F7C0] =	vst v63  }
0x77: {  	_ =	swait.ge [sflag:s28], $0x70  }
0x78: {  	[sflag:s28] =	ssyncset.done $0x0  }
0x79: {  	[sflag:s28] =	ssyncadd.s32 $0xFFFFFF90  }
0x7a: {  	_ =	swait.ge [sflag:s28], $0x70  }
0x7b: {  	[sflag:s28] =	ssyncset.done $0x0  }
0x7c: {  	[sflag:s28] =	ssyncadd.s32 $0xFFFFFF90  }
0x7d: {  	[tilespmem:s29], [sflag:$0x1] =	stream.indirect.gather [spmem:s2], $0x40, s4, s24, $0xb8;
	[tilespmem:$0x1F7C0] =	vst v63  }
0x7e: {  	_ =	swait.ge [sflag:s26], $0x1C00  }
0x7f: {  	[sflag:s26] =	ssyncset.done $0x0  }
0x80: {  	[sflag:s26] =	ssyncadd.s32 $0xFFFFE400  }
0x81: {  	[spmem:s3] =	stream.indirect.scatter.add.f32 [tilespmem:s29], [sflag:$0x4], $0x40, s23, s24, $0xb8;
	[tilespmem:$0x1F7C0] =	vst v63  }
0x82: {  	_ =	swait.ge [sflag:s22], $0x1C00  }
0x83: {  	[sflag:s22] =	ssyncset.done $0x0  }
0x84: {  	[sflag:s22] =	ssyncadd.s32 $0xFFFFE400  }
0x85: {  	_ =	swait.ge [sflag:s30], $0x70  }
0x86: {  	[sflag:s30] =	ssyncset.done $0x0  }
0x87: {  	[sflag:s30] =	ssyncadd.s32 $0xFFFFFF90  }
0x88: {  	_ =	swait.ge [sflag:s30], $0x70  }
0x89: {  	[sflag:s30] =	ssyncset.done $0x0  }
0x8a: {  	[sflag:s30] =	ssyncadd.s32 $0xFFFFFF90  }
0x8b: {  	[tilespmem:s29], [sflag:$0x1] =	stream.indirect.gather [spmem:s2], $0x40, s24, s24, $0xb8;
	[tilespmem:$0x1F7C0] =	vst v63  }
0x8c: {  	_ =	swait.ge [sflag:s26], $0x1C00  }
0x8d: {  	[sflag:s26] =	ssyncset.done $0x0  }
0x8e: {  	[sflag:s26] =	ssyncadd.s32 $0xFFFFE400  }
0x8f: {  	[spmem:s3] =	stream.indirect.scatter.add.f32 [tilespmem:s29], [sflag:$0x4], $0x40, s25, s24, $0xb8;
	[tilespmem:$0x1F7C0] =	vst v63  }
0x90: {  	_ =	swait.ge [sflag:s22], $0x1C00  }
0x91: {  	s31 =	sadd.s32 $0x1, s31;
	[sflag:s22] =	ssyncset.done $0x0  }
0x92: {  	s0 =	sor.u32 $0x1C04, s8;
	p0 =	sne.s32 s31, s16;
	[sflag:s22] =	ssyncadd.s32 $0xFFFFE400  }
.Ltmp2:
0x93: {  	s1 =	sshrl.u32 s10, $0x3;
	[bflag:$0x0] =	sbarrier.arrive $0xFFFF;
	(pc) =	sbr.rel @p0 .LBB2_1-.Ltmp2, $4  }
0x94: {  	[hbm:s15], [sflag:s0] =	dma.local [spmem:s1], $0x13C0  }
0x95: {  	_ =	swait.ge [sflag:s22], $0x13C0  }
0x96: {  	[sflag:s22] =	ssyncset.done $0x0  }
0x97: {  	[sflag:s22] =	ssyncadd.s32 $0xFFFFEC40  }
0x98: {  	_ =	sfence.sel $0x180000  }
0x99: {  	[bflag:$0x0] =	sbarrier.arrive $0xFFFF  }
0x9a: {  	_ =	strace $0x90000047  }
0x9b: {  	s0 =	stileid.u32;
	[bflag:$0x2] =	sbarrier.arrive $0xFFFF  }
0x9c: {  	p0 =	sne.s32 s0, $0x0;
	s0 =	rddreg [dreg:$0x3]  }
0x9d: {  	s0 =	sadd.s32 @!p0 $0x100000, s0  }
0x9e: {  	[sflag:s0] =	ssyncadd.tile.s32 @!p0 $0x1;
	_ =	shalt  }
.Lfunc_end2:
_tile_overlayer_lowered:
.L_overlay_start_2:
0x9f: {  	(tag) =	ssettag $0x2  }
0xa0: {  	s0 =	rddreg [dreg:$0x0];
	s2 =	stileid.u32  }
0xa1: {  	s1 =	rddreg [dreg:$0x1];
	p0 =	sne.s32 s2, $0x0  }
0xa2: {  	s3 =	rddreg [dreg:$0x2];
	[bflag:$0x3] =	sbarrier.arrive $0xFFFF;
	s2 =	simm.s32 @!p0 $0x1C04  }
0xa3: {  	[timem:s3], [sflag:s2] =	dma.local @!p0 [hbm:s0], s1  }
0xa4: {  	s0 =	simm.s32 @!p0 $0x4  }
0xa5: {  	_ =	swait.ge @!p0 [sflag:s0], s1  }
0xa6: {  	s1 =	ssub.s32 @!p0 $0x0, s1;
	[sflag:s0] =	ssyncset.done @!p0 $0x0  }
0xa7: {  	[sflag:s0] =	ssyncadd.s32 @!p0 s1  }
0xa8: {  	[bflag:$0x3] =	sbarrier.arrive $0xFFFF  }
0xa9: {  	_ =	shalt  }

</sc_bundles>
